<compile_context>
chip_gen: v7x
topology: tpu7x:2x2x1
jax: 0.10.2.dev20260603
libtpu: 0.0.44.dev20260713+nightly
codegen_flags: <defaults>
</compile_context>

<pallas_src>
import functools

import jax
import jax.numpy as jnp
from jax import lax
from jax.experimental import pallas as pl
from jax.experimental.pallas import tpu as pltpu
from jax.experimental.pallas import tpu_sc as plsc

_N_TOTAL = 1000000
_D = 64
_NREL = 64
_B = 16384
_NAUX = 3
_LAMBDA = 1e-05

_NW = 32
_HB = _B // 2
_ROWS_H = 3 * _HB
_RPT = _ROWS_H // _NW

_R = 512
_NSTEP = _HB // _R


def _sc_gather(table, idx):
    idx2 = idx.reshape(_NW, _RPT)
    mesh = plsc.VectorSubcoreMesh(core_axis_name="c", subcore_axis_name="s")

    @functools.partial(
        pl.kernel,
        mesh=mesh,
        out_type=jax.ShapeDtypeStruct((_ROWS_H, _D), jnp.float32),
        scratch_types=[
            pltpu.VMEM((_RPT,), jnp.int32),
            pltpu.VMEM((_RPT, _D), jnp.float32),
            pltpu.SemaphoreType.DMA,
        ],
    )
    def gather_k(table_hbm, idx_hbm, out_hbm, idx_v, rows_v, sem):
        wid = lax.axis_index("s") * 2 + lax.axis_index("c")
        pltpu.sync_copy(idx_hbm.at[wid], idx_v)

        def body(t, _):
            vec = idx_v[pl.ds(t * 16, 16)]
            for l in range(16):
                k = vec[l]
                pltpu.async_copy(
                    table_hbm.at[pl.ds(k, 1)],
                    rows_v.at[pl.ds(t * 16 + l, 1)],
                    sem)
            return 0

        lax.fori_loop(0, _RPT // 16, body, 0)
        pltpu.make_async_copy(
            table_hbm.at[pl.ds(0, _RPT)], rows_v, sem).wait()
        pltpu.sync_copy(rows_v, out_hbm.at[pl.ds(wid * _RPT, _RPT)])

    return gather_k(table, idx2)


def _tc_body(g_ref, ah_ref, ap_ref, an_ref, r_ref, m_ref, rel_ref, wt_ref,
             b_ref, o_ref):
    i = pl.program_id(0)
    E = g_ref[...]
    r = r_ref[...]
    Wt = wt_ref[...]
    b = b_ref[...]

    efs = []
    for s, a_ref in enumerate((ah_ref, ap_ref, an_ref)):
        acc = jnp.dot(a_ref[...], Wt, preferred_element_type=jnp.float32) + b
        efs.append(E[s] * (1.0 + jnp.tanh(acc)))
    EF = jnp.concatenate(efs, axis=0)
    r3 = jnp.concatenate([r, r, r], axis=0)

    col_hi = (lax.broadcasted_iota(jnp.int32, (3 * _R, 128), 1) >= 64
              ).astype(jnp.int32)
    m1f = ((r3 & 1) == col_hi).astype(jnp.float32)
    rhalf = r3 >> 1
    M2 = m_ref[...]
    EFb = EF.astype(jnp.bfloat16)
    res = jnp.zeros((3 * _R, 128), jnp.float32)
    for c in range(_NREL // 2):
        t = jnp.dot(EFb, M2[:, 128 * c:128 * (c + 1)],
                    preferred_element_type=jnp.float32)
        res = res + t * jnp.where(rhalf == c, m1f, 0.0)
    rall = res[:, :64] + res[:, 64:]
    rh = rall[:_R]
    rp = rall[_R:2 * _R]
    rn = rall[2 * _R:]

    onehot = (lax.broadcasted_iota(jnp.int32, (_R, _NREL), 1) == r
              ).astype(jnp.float32)
    re_ = jnp.dot(onehot, rel_ref[...], preferred_element_type=jnp.float32)

    dp = rh + re_ - rp
    dn = rh + re_ - rn
    pos = jnp.sum(dp * dp, axis=1, keepdims=True)
    neg = jnp.sum(dn * dn, axis=1, keepdims=True)
    x = neg - pos
    nls = jnp.maximum(-x, 0.0) + jnp.log(1.0 + jnp.exp(-jnp.abs(x)))
    kg = jnp.sum(nls)
    l2 = 0.5 * (jnp.sum(rh * rh) + jnp.sum(re_ * re_)
                + jnp.sum(rp * rp) + jnp.sum(rn * rn))
    part = kg + _LAMBDA * l2

    acc0 = jnp.where(i == 0, 0.0, o_ref[...]) + part
    o_ref[...] = acc0


def _tc_compute(g3, ah, ap, an, r2, M2, rel, Wt, b2):
    return pl.pallas_call(
        _tc_body,
        grid=(_NSTEP,),
        in_specs=[
            pl.BlockSpec((3, _R, _D), lambda i: (0, i, 0)),
            pl.BlockSpec((_R, _NAUX), lambda i: (i, 0)),
            pl.BlockSpec((_R, _NAUX), lambda i: (i, 0)),
            pl.BlockSpec((_R, _NAUX), lambda i: (i, 0)),
            pl.BlockSpec((_R, 1), lambda i: (i, 0)),
            pl.BlockSpec((_D, _NREL * _D), lambda i: (0, 0)),
            pl.BlockSpec((_NREL, _D), lambda i: (0, 0)),
            pl.BlockSpec((_NAUX, _D), lambda i: (0, 0)),
            pl.BlockSpec((1, _D), lambda i: (0, 0)),
        ],
        out_specs=pl.BlockSpec((1, 1), lambda i: (0, 0)),
        out_shape=jax.ShapeDtypeStruct((1, 1), jnp.float32),
    )(g3, ah, ap, an, r2, M2, rel, Wt, b2)


def kernel(h, r, pos_t, neg_t, h_aux, pos_t_aux, neg_t_aux,
           entity_user_embed, relation_embed, trans_M, aux_W, aux_b):
    h = h.astype(jnp.int32)
    pos_t = pos_t.astype(jnp.int32)
    neg_t = neg_t.astype(jnp.int32)
    M2 = jnp.transpose(trans_M, (1, 0, 2)).reshape(
        _D, _NREL * _D).astype(jnp.bfloat16)
    Wt = jnp.transpose(aux_W)
    b2 = aux_b.reshape(1, _D)
    r2 = r.astype(jnp.int32).reshape(_B, 1)

    sums = []
    for half in range(2):
        sl = slice(half * _HB, (half + 1) * _HB)
        idx = jnp.concatenate([h[sl], pos_t[sl], neg_t[sl]])
        gathered = _sc_gather(entity_user_embed, idx)
        g3 = gathered.reshape(3, _HB, _D)
        sums.append(_tc_compute(g3, h_aux[sl], pos_t_aux[sl], neg_t_aux[sl],
                                r2[sl], M2, relation_embed, Wt, b2))
    return (sums[0][0, 0] + sums[1][0, 0]) * (1.0 / _B)

# --- scband reference (transcript-rebuilt; emitter-appended) ---
"""Pipeline reference for scband-kgat-1675037246210 (READ-ONLY COPY).

The authoritative reference and input builder live on the scoring server;
editing this copy changes nothing except your own understanding.
"""

import jax, jax.numpy as jnp
import numpy as np

N_TOTAL = 1000000  # n_users + n_entities
EMBED_DIM = 64
REL_DIM = 64
N_REL = 64
B = 16384
N_AUX = 3
KG_LAMBDA = 1e-05


def setup_inputs(seed: int = 0) -> dict:
    key = jax.random.key(seed)
    ks = jax.random.split(key, 12)
    h = jax.random.randint(ks[0], (B,), 0, N_TOTAL)
    r = jax.random.randint(ks[1], (B,), 0, N_REL)
    pos_t = jax.random.randint(ks[2], (B,), 0, N_TOTAL)
    neg_t = jax.random.randint(ks[3], (B,), 0, N_TOTAL)
    h_aux = jax.random.normal(ks[4], (B, N_AUX), dtype=jnp.float32)
    pos_t_aux = jax.random.normal(ks[5], (B, N_AUX), dtype=jnp.float32)
    neg_t_aux = jax.random.normal(ks[6], (B, N_AUX), dtype=jnp.float32)
    entity_user_embed = jax.random.normal(ks[7], (N_TOTAL, EMBED_DIM), dtype=jnp.float32) * 0.05
    relation_embed = jax.random.normal(ks[8], (N_REL, REL_DIM), dtype=jnp.float32) * 0.05
    trans_M = jax.random.normal(ks[9], (N_REL, EMBED_DIM, REL_DIM), dtype=jnp.float32) * 0.05
    aux_W = jax.random.normal(ks[10], (EMBED_DIM, N_AUX), dtype=jnp.float32) * 0.3
    aux_b = jnp.zeros((EMBED_DIM,), dtype=jnp.float32)
    return {
        'h': h, 'r': r, 'pos_t': pos_t, 'neg_t': neg_t,
        'h_aux': h_aux, 'pos_t_aux': pos_t_aux, 'neg_t_aux': neg_t_aux,
        'entity_user_embed': entity_user_embed, 'relation_embed': relation_embed,
        'trans_M': trans_M, 'aux_W': aux_W, 'aux_b': aux_b,
    }


def _l2_loss_mean(x):
    return jnp.mean(jnp.sum(x * x, axis=1) / 2.0)


def _holographic_fusion(e, aux, W, b):
    # nn.Linear(n_aux, embed_dim): aux @ W.T + b, then tanh; multiplicative gate
    v = jnp.tanh(aux @ W.T + b)
    return e * (1.0 + v)


def reference(h, r, pos_t, neg_t, h_aux, pos_t_aux, neg_t_aux,
              entity_user_embed, relation_embed, trans_M, aux_W, aux_b):
    # KGAT.forward(..., mode='train_kg') -> calc_kg_loss
    h_e = jnp.take(entity_user_embed, h, axis=0)
    p_t_e = jnp.take(entity_user_embed, pos_t, axis=0)
    n_t_e = jnp.take(entity_user_embed, neg_t, axis=0)
    h_e = _holographic_fusion(h_e, h_aux, aux_W, aux_b)
    p_t_e = _holographic_fusion(p_t_e, pos_t_aux, aux_W, aux_b)
    n_t_e = _holographic_fusion(n_t_e, neg_t_aux, aux_W, aux_b)
    r_e = jnp.take(relation_embed, r, axis=0)
    W_r = jnp.take(trans_M, r, axis=0)  # [B, embed_dim, rel_dim] gather (memory heavy)
    r_h = jnp.einsum('bi,bij->bj', h_e, W_r)
    r_p = jnp.einsum('bi,bij->bj', p_t_e, W_r)
    r_n = jnp.einsum('bi,bij->bj', n_t_e, W_r)
    pos_score = jnp.sum((r_h + r_e - r_p) ** 2, axis=1)
    neg_score = jnp.sum((r_h + r_e - r_n) ** 2, axis=1)
    kg_loss = jnp.mean(-1.0 * jax.nn.log_sigmoid(neg_score - pos_score))
    l2_loss = (_l2_loss_mean(r_h) + _l2_loss_mean(r_e)
               + _l2_loss_mean(r_p) + _l2_loss_mean(r_n))
    return kg_loss + KG_LAMBDA * l2_loss


if False:  # reference __main__ guard neutralized (emitter)
    out = reference(**setup_inputs())
    print(out)

if __name__ == "__main__":
    import jax
    _d = setup_inputs()
    print(jax.jit(kernel)(*tuple(_d.values())))

</pallas_src>

<mosaic_0001>
#map = affine_map<(d0, d1) -> (0, 0)>
module attributes {stable_mosaic.version = 14 : i64} {
  func.func @gather_k(%arg0: i32, %arg1: i32, %arg2: memref<1000000x64xf32, #tpu.memory_space<hbm>>, %arg3: memref<32x768xi32, #tpu.memory_space<hbm>>, %arg4: memref<24576x64xf32, #tpu.memory_space<hbm>>, %arg5: memref<768xi32, #tpu.memory_space<vmem>>, %arg6: memref<768x64xf32, #tpu.memory_space<vmem>>, %arg7: memref<!tpu.dma_semaphore, #tpu.memory_space<semaphore_mem>>) attributes {dimension_semantics = [#tpu.dimension_semantics<core_parallel>, #tpu.dimension_semantics<subcore_parallel>], iteration_bounds = array<i64: 2, 16>, scalar_prefetch = 0 : i64, scratch_operands = 3 : i64, tpu.core_type = #tpu.core_type<sc_vector_subcore>, window_params = [{transform_indices = #map}, {transform_indices = #map}, {transform_indices = #map}]} {
    %mul3A = arith.constant 2 : i32
    %mul3A_0 = arith.muli %arg1, %mul3A : i32
    %add3A = arith.addi %mul3A_0, %arg0 : i32
    "tpu.region"() ({
      %run_scoped3A = tpu.sem_alloc : memref<!tpu.dma_semaphore, #tpu.memory_space<semaphore_mem>>
      %dma_start3A = arith.constant 0 : i32
      %dma_start3A_14 = tpu.memref_slice %arg3[%add3A, %dma_start3A] : memref<32x768xi32, #tpu.memory_space<hbm>> -> memref<1x768xi32, #tpu.memory_space<hbm>>
      %dma_start3A_15 = tpu.memref_squeeze %dma_start3A_14 : memref<1x768xi32, #tpu.memory_space<hbm>> -> memref<768xi32, #tpu.memory_space<hbm>>
      %dma_start3A_16 = arith.constant 0 : i32
      %dma_start3A_17 = tpu.memref_slice %arg3[%add3A, %dma_start3A_16] : memref<32x768xi32, #tpu.memory_space<hbm>> -> memref<1x768xi32, #tpu.memory_space<hbm>>
      %dma_start3A_18 = tpu.memref_squeeze %dma_start3A_17 : memref<1x768xi32, #tpu.memory_space<hbm>> -> memref<768xi32, #tpu.memory_space<hbm>>
      tpu.enqueue_dma source(%dma_start3A_18 : memref<768xi32, #tpu.memory_space<hbm>>) target(%arg5 : memref<768xi32, #tpu.memory_space<vmem>>) target_semaphore(%run_scoped3A : memref<!tpu.dma_semaphore, #tpu.memory_space<semaphore_mem>>)
      %dma_wait3A_19 = arith.constant 0 : i32
      %dma_wait3A_20 = tpu.memref_slice %arg3[%add3A, %dma_wait3A_19] : memref<32x768xi32, #tpu.memory_space<hbm>> -> memref<1x768xi32, #tpu.memory_space<hbm>>
      %dma_wait3A_21 = tpu.memref_squeeze %dma_wait3A_20 : memref<1x768xi32, #tpu.memory_space<hbm>> -> memref<768xi32, #tpu.memory_space<hbm>>
      %dma_wait3A_22 = arith.constant 0 : i32
      %dma_wait3A_23 = tpu.memref_slice %arg3[%add3A, %dma_wait3A_22] : memref<32x768xi32, #tpu.memory_space<hbm>> -> memref<1x768xi32, #tpu.memory_space<hbm>>
      %dma_wait3A_24 = tpu.memref_squeeze %dma_wait3A_23 : memref<1x768xi32, #tpu.memory_space<hbm>> -> memref<768xi32, #tpu.memory_space<hbm>>
      tpu.wait_dma2 semaphore(%run_scoped3A : memref<!tpu.dma_semaphore, #tpu.memory_space<semaphore_mem>>) src(%dma_wait3A_24 : memref<768xi32, #tpu.memory_space<hbm>>) dst(%arg5 : memref<768xi32, #tpu.memory_space<vmem>>)
      tpu.yield
    }) : () -> ()
    %scan3A = arith.constant 0 : i32
    %scan3A_1 = arith.constant 0 : i32
    %scan3A_2 = arith.constant 48 : i32
    %scan3A_3 = arith.addi %scan3A_1, %scan3A_2 : i32
    %scan3A_4 = arith.constant 1 : i32
    %scan3A_5 = scf.for %scan3A_14 = %scan3A_1 to %scan3A_3 step %scan3A_4 iter_args(%scan3A_15 = %scan3A) -> (i32)  : i32 {
      %mul3A_16 = arith.constant 16 : i32
      %mul3A_17 = arith.muli %scan3A_14, %mul3A_16 : i32
      %get3A = arith.index_cast %mul3A_17 : i32 to index
      %get3A_18 = tpu.vector_load %arg5[%get3A] {strides = array<i32>} : memref<768xi32, #tpu.memory_space<vmem>>, vector<16xi32>,
      %get3A_19 = vector.shape_cast %get3A_18 : vector<16xi32> to vector<16xi32>
      %slice3A = vector.extract_strided_slice %get3A_19 {offsets = [0], sizes = [1], strides = [1]} : vector<16xi32> to vector<1xi32>
      %squeeze3A = vector.extract %slice3A[0] : i32 from vector<1xi32>
      %mul3A_20 = arith.constant 16 : i32
      %mul3A_21 = arith.muli %scan3A_14, %mul3A_20 : i32
      %add3A_22 = arith.constant 0 : i32
      %add3A_23 = arith.addi %mul3A_21, %add3A_22 : i32
      %dma_start3A = arith.constant 0 : i32
      %dma_start3A_24 = tpu.memref_slice %arg6[%add3A_23, %dma_start3A] : memref<768x64xf32, #tpu.memory_space<vmem>> -> memref<1x64xf32, #tpu.memory_space<vmem>>
      %dma_start3A_25 = arith.constant 0 : i32
      %dma_start3A_26 = tpu.memref_slice %arg2[%squeeze3A, %dma_start3A_25] : memref<1000000x64xf32, #tpu.memory_space<hbm>> -> memref<1x64xf32, #tpu.memory_space<hbm>>
      %dma_start3A_27 = arith.constant 0 : i32
      %dma_start3A_28 = tpu.memref_slice %arg6[%add3A_23, %dma_start3A_27] : memref<768x64xf32, #tpu.memory_space<vmem>> -> memref<1x64xf32, #tpu.memory_space<vmem>>
      %dma_start3A_29 = arith.constant 0 : i32
      %dma_start3A_30 = tpu.memref_slice %arg2[%squeeze3A, %dma_start3A_29] : memref<1000000x64xf32, #tpu.memory_space<hbm>> -> memref<1x64xf32, #tpu.memory_space<hbm>>
      tpu.enqueue_dma source(%dma_start3A_30 : memref<1x64xf32, #tpu.memory_space<hbm>>) target(%dma_start3A_28 : memref<1x64xf32, #tpu.memory_space<vmem>>) target_semaphore(%arg7 : memref<!tpu.dma_semaphore, #tpu.memory_space<semaphore_mem>>)
      %slice3A_31 = vector.extract_strided_slice %get3A_19 {offsets = [1], sizes = [1], strides = [1]} : vector<16xi32> to vector<1xi32>
      %squeeze3A_32 = vector.extract %slice3A_31[0] : i32 from vector<1xi32>
      %mul3A_33 = arith.constant 16 : i32
      %mul3A_34 = arith.muli %scan3A_14, %mul3A_33 : i32
      %add3A_35 = arith.constant 1 : i32
      %add3A_36 = arith.addi %mul3A_34, %add3A_35 : i32
      %dma_start3A_37 = arith.constant 0 : i32
      %dma_start3A_38 = tpu.memref_slice %arg6[%add3A_36, %dma_start3A_37] : memref<768x64xf32, #tpu.memory_space<vmem>> -> memref<1x64xf32, #tpu.memory_space<vmem>>
      %dma_start3A_39 = arith.constant 0 : i32
      %dma_start3A_40 = tpu.memref_slice %arg2[%squeeze3A_32, %dma_start3A_39] : memref<1000000x64xf32, #tpu.memory_space<hbm>> -> memref<1x64xf32, #tpu.memory_space<hbm>>
      %dma_start3A_41 = arith.constant 0 : i32
      %dma_start3A_42 = tpu.memref_slice %arg6[%add3A_36, %dma_start3A_41] : memref<768x64xf32, #tpu.memory_space<vmem>> -> memref<1x64xf32, #tpu.memory_space<vmem>>
      %dma_start3A_43 = arith.constant 0 : i32
      %dma_start3A_44 = tpu.memref_slice %arg2[%squeeze3A_32, %dma_start3A_43] : memref<1000000x64xf32, #tpu.memory_space<hbm>> -> memref<1x64xf32, #tpu.memory_space<hbm>>
      tpu.enqueue_dma source(%dma_start3A_44 : memref<1x64xf32, #tpu.memory_space<hbm>>) target(%dma_start3A_42 : memref<1x64xf32, #tpu.memory_space<vmem>>) target_semaphore(%arg7 : memref<!tpu.dma_semaphore, #tpu.memory_space<semaphore_mem>>)
      %slice3A_45 = vector.extract_strided_slice %get3A_19 {offsets = [2], sizes = [1], strides = [1]} : vector<16xi32> to vector<1xi32>
      %squeeze3A_46 = vector.extract %slice3A_45[0] : i32 from vector<1xi32>
      %mul3A_47 = arith.constant 16 : i32
      %mul3A_48 = arith.muli %scan3A_14, %mul3A_47 : i32
      %add3A_49 = arith.constant 2 : i32
      %add3A_50 = arith.addi %mul3A_48, %add3A_49 : i32
      %dma_start3A_51 = arith.constant 0 : i32
      %dma_start3A_52 = tpu.memref_slice %arg6[%add3A_50, %dma_start3A_51] : memref<768x64xf32, #tpu.memory_space<vmem>> -> memref<1x64xf32, #tpu.memory_space<vmem>>
      %dma_start3A_53 = arith.constant 0 : i32
      %dma_start3A_54 = tpu.memref_slice %arg2[%squeeze3A_46, %dma_start3A_53] : memref<1000000x64xf32, #tpu.memory_space<hbm>> -> memref<1x64xf32, #tpu.memory_space<hbm>>
      %dma_start3A_55 = arith.constant 0 : i32
      %dma_start3A_56 = tpu.memref_slice %arg6[%add3A_50, %dma_start3A_55] : memref<768x64xf32, #tpu.memory_space<vmem>> -> memref<1x64xf32, #tpu.memory_space<vmem>>
      %dma_start3A_57 = arith.constant 0 : i32
      %dma_start3A_58 = tpu.memref_slice %arg2[%squeeze3A_46, %dma_start3A_57] : memref<1000000x64xf32, #tpu.memory_space<hbm>> -> memref<1x64xf32, #tpu.memory_space<hbm>>
      tpu.enqueue_dma source(%dma_start3A_58 : memref<1x64xf32, #tpu.memory_space<hbm>>) target(%dma_start3A_56 : memref<1x64xf32, #tpu.memory_space<vmem>>) target_semaphore(%arg7 : memref<!tpu.dma_semaphore, #tpu.memory_space<semaphore_mem>>)
      %slice3A_59 = vector.extract_strided_slice %get3A_19 {offsets = [3], sizes = [1], strides = [1]} : vector<16xi32> to vector<1xi32>
      %squeeze3A_60 = vector.extract %slice3A_59[0] : i32 from vector<1xi32>
      %mul3A_61 = arith.constant 16 : i32
      %mul3A_62 = arith.muli %scan3A_14, %mul3A_61 : i32
      %add3A_63 = arith.constant 3 : i32
      %add3A_64 = arith.addi %mul3A_62, %add3A_63 : i32
      %dma_start3A_65 = arith.constant 0 : i32
      %dma_start3A_66 = tpu.memref_slice %arg6[%add3A_64, %dma_start3A_65] : memref<768x64xf32, #tpu.memory_space<vmem>> -> memref<1x64xf32, #tpu.memory_space<vmem>>
      %dma_start3A_67 = arith.constant 0 : i32
      %dma_start3A_68 = tpu.memref_slice %arg2[%squeeze3A_60, %dma_start3A_67] : memref<1000000x64xf32, #tpu.memory_space<hbm>> -> memref<1x64xf32, #tpu.memory_space<hbm>>
      %dma_start3A_69 = arith.constant 0 : i32
      %dma_start3A_70 = tpu.memref_slice %arg6[%add3A_64, %dma_start3A_69] : memref<768x64xf32, #tpu.memory_space<vmem>> -> memref<1x64xf32, #tpu.memory_space<vmem>>
      %dma_start3A_71 = arith.constant 0 : i32
      %dma_start3A_72 = tpu.memref_slice %arg2[%squeeze3A_60, %dma_start3A_71] : memref<1000000x64xf32, #tpu.memory_space<hbm>> -> memref<1x64xf32, #tpu.memory_space<hbm>>
      tpu.enqueue_dma source(%dma_start3A_72 : memref<1x64xf32, #tpu.memory_space<hbm>>) target(%dma_start3A_70 : memref<1x64xf32, #tpu.memory_space<vmem>>) target_semaphore(%arg7 : memref<!tpu.dma_semaphore, #tpu.memory_space<semaphore_mem>>)
      %slice3A_73 = vector.extract_strided_slice %get3A_19 {offsets = [4], sizes = [1], strides = [1]} : vector<16xi32> to vector<1xi32>
      %squeeze3A_74 = vector.extract %slice3A_73[0] : i32 from vector<1xi32>
      %mul3A_75 = arith.constant 16 : i32
      %mul3A_76 = arith.muli %scan3A_14, %mul3A_75 : i32
      %add3A_77 = arith.constant 4 : i32
      %add3A_78 = arith.addi %mul3A_76, %add3A_77 : i32
      %dma_start3A_79 = arith.constant 0 : i32
      %dma_start3A_80 = tpu.memref_slice %arg6[%add3A_78, %dma_start3A_79] : memref<768x64xf32, #tpu.memory_space<vmem>> -> memref<1x64xf32, #tpu.memory_space<vmem>>
      %dma_start3A_81 = arith.constant 0 : i32
      %dma_start3A_82 = tpu.memref_slice %arg2[%squeeze3A_74, %dma_start3A_81] : memref<1000000x64xf32, #tpu.memory_space<hbm>> -> memref<1x64xf32, #tpu.memory_space<hbm>>
      %dma_start3A_83 = arith.constant 0 : i32
      %dma_start3A_84 = tpu.memref_slice %arg6[%add3A_78, %dma_start3A_83] : memref<768x64xf32, #tpu.memory_space<vmem>> -> memref<1x64xf32, #tpu.memory_space<vmem>>
      %dma_start3A_85 = arith.constant 0 : i32
      %dma_start3A_86 = tpu.memref_slice %arg2[%squeeze3A_74, %dma_start3A_85] : memref<1000000x64xf32, #tpu.memory_space<hbm>> -> memref<1x64xf32, #tpu.memory_space<hbm>>
      tpu.enqueue_dma source(%dma_start3A_86 : memref<1x64xf32, #tpu.memory_space<hbm>>) target(%dma_start3A_84 : memref<1x64xf32, #tpu.memory_space<vmem>>) target_semaphore(%arg7 : memref<!tpu.dma_semaphore, #tpu.memory_space<semaphore_mem>>)
      %slice3A_87 = vector.extract_strided_slice %get3A_19 {offsets = [5], sizes = [1], strides = [1]} : vector<16xi32> to vector<1xi32>
      %squeeze3A_88 = vector.extract %slice3A_87[0] : i32 from vector<1xi32>
      %mul3A_89 = arith.constant 16 : i32
      %mul3A_90 = arith.muli %scan3A_14, %mul3A_89 : i32
      %add3A_91 = arith.constant 5 : i32
      %add3A_92 = arith.addi %mul3A_90, %add3A_91 : i32
      %dma_start3A_93 = arith.constant 0 : i32
      %dma_start3A_94 = tpu.memref_slice %arg6[%add3A_92, %dma_start3A_93] : memref<768x64xf32, #tpu.memory_space<vmem>> -> memref<1x64xf32, #tpu.memory_space<vmem>>
      %dma_start3A_95 = arith.constant 0 : i32
      %dma_start3A_96 = tpu.memref_slice %arg2[%squeeze3A_88, %dma_start3A_95] : memref<1000000x64xf32, #tpu.memory_space<hbm>> -> memref<1x64xf32, #tpu.memory_space<hbm>>
      %dma_start3A_97 = arith.constant 0 : i32
      %dma_start3A_98 = tpu.memref_slice %arg6[%add3A_92, %dma_start3A_97] : memref<768x64xf32, #tpu.memory_space<vmem>> -> memref<1x64xf32, #tpu.memory_space<vmem>>
      %dma_start3A_99 = arith.constant 0 : i32
      %dma_start3A_100 = tpu.memref_slice %arg2[%squeeze3A_88, %dma_start3A_99] : memref<1000000x64xf32, #tpu.memory_space<hbm>> -> memref<1x64xf32, #tpu.memory_space<hbm>>
      tpu.enqueue_dma source(%dma_start3A_100 : memref<1x64xf32, #tpu.memory_space<hbm>>) target(%dma_start3A_98 : memref<1x64xf32, #tpu.memory_space<vmem>>) target_semaphore(%arg7 : memref<!tpu.dma_semaphore, #tpu.memory_space<semaphore_mem>>)
      %slice3A_101 = vector.extract_strided_slice %get3A_19 {offsets = [6], sizes = [1], strides = [1]} : vector<16xi32> to vector<1xi32>
      %squeeze3A_102 = vector.extract %slice3A_101[0] : i32 from vector<1xi32>
      %mul3A_103 = arith.constant 16 : i32
      %mul3A_104 = arith.muli %scan3A_14, %mul3A_103 : i32
      %add3A_105 = arith.constant 6 : i32
      %add3A_106 = arith.addi %mul3A_104, %add3A_105 : i32
      %dma_start3A_107 = arith.constant 0 : i32
      %dma_start3A_108 = tpu.memref_slice %arg6[%add3A_106, %dma_start3A_107] : memref<768x64xf32, #tpu.memory_space<vmem>> -> memref<1x64xf32, #tpu.memory_space<vmem>>
      %dma_start3A_109 = arith.constant 0 : i32
      %dma_start3A_110 = tpu.memref_slice %arg2[%squeeze3A_102, %dma_start3A_109] : memref<1000000x64xf32, #tpu.memory_space<hbm>> -> memref<1x64xf32, #tpu.memory_space<hbm>>
      %dma_start3A_111 = arith.constant 0 : i32
      %dma_start3A_112 = tpu.memref_slice %arg6[%add3A_106, %dma_start3A_111] : memref<768x64xf32, #tpu.memory_space<vmem>> -> memref<1x64xf32, #tpu.memory_space<vmem>>
      %dma_start3A_113 = arith.constant 0 : i32
      %dma_start3A_114 = tpu.memref_slice %arg2[%squeeze3A_102, %dma_start3A_113] : memref<1000000x64xf32, #tpu.memory_space<hbm>> -> memref<1x64xf32, #tpu.memory_space<hbm>>
      tpu.enqueue_dma source(%dma_start3A_114 : memref<1x64xf32, #tpu.memory_space<hbm>>) target(%dma_start3A_112 : memref<1x64xf32, #tpu.memory_space<vmem>>) target_semaphore(%arg7 : memref<!tpu.dma_semaphore, #tpu.memory_space<semaphore_mem>>)
      %slice3A_115 = vector.extract_strided_slice %get3A_19 {offsets = [7], sizes = [1], strides = [1]} : vector<16xi32> to vector<1xi32>
      %squeeze3A_116 = vector.extract %slice3A_115[0] : i32 from vector<1xi32>
      %mul3A_117 = arith.constant 16 : i32
      %mul3A_118 = arith.muli %scan3A_14, %mul3A_117 : i32
      %add3A_119 = arith.constant 7 : i32
      %add3A_120 = arith.addi %mul3A_118, %add3A_119 : i32
      %dma_start3A_121 = arith.constant 0 : i32
      %dma_start3A_122 = tpu.memref_slice %arg6[%add3A_120, %dma_start3A_121] : memref<768x64xf32, #tpu.memory_space<vmem>> -> memref<1x64xf32, #tpu.memory_space<vmem>>
      %dma_start3A_123 = arith.constant 0 : i32
      %dma_start3A_124 = tpu.memref_slice %arg2[%squeeze3A_116, %dma_start3A_123] : memref<1000000x64xf32, #tpu.memory_space<hbm>> -> memref<1x64xf32, #tpu.memory_space<hbm>>
      %dma_start3A_125 = arith.constant 0 : i32
      %dma_start3A_126 = tpu.memref_slice %arg6[%add3A_120, %dma_start3A_125] : memref<768x64xf32, #tpu.memory_space<vmem>> -> memref<1x64xf32, #tpu.memory_space<vmem>>
      %dma_start3A_127 = arith.constant 0 : i32
      %dma_start3A_128 = tpu.memref_slice %arg2[%squeeze3A_116, %dma_start3A_127] : memref<1000000x64xf32, #tpu.memory_space<hbm>> -> memref<1x64xf32, #tpu.memory_space<hbm>>
      tpu.enqueue_dma source(%dma_start3A_128 : memref<1x64xf32, #tpu.memory_space<hbm>>) target(%dma_start3A_126 : memref<1x64xf32, #tpu.memory_space<vmem>>) target_semaphore(%arg7 : memref<!tpu.dma_semaphore, #tpu.memory_space<semaphore_mem>>)
      %slice3A_129 = vector.extract_strided_slice %get3A_19 {offsets = [8], sizes = [1], strides = [1]} : vector<16xi32> to vector<1xi32>
      %squeeze3A_130 = vector.extract %slice3A_129[0] : i32 from vector<1xi32>
      %mul3A_131 = arith.constant 16 : i32
      %mul3A_132 = arith.muli %scan3A_14, %mul3A_131 : i32
      %add3A_133 = arith.constant 8 : i32
      %add3A_134 = arith.addi %mul3A_132, %add3A_133 : i32
      %dma_start3A_135 = arith.constant 0 : i32
      %dma_start3A_136 = tpu.memref_slice %arg6[%add3A_134, %dma_start3A_135] : memref<768x64xf32, #tpu.memory_space<vmem>> -> memref<1x64xf32, #tpu.memory_space<vmem>>
      %dma_start3A_137 = arith.constant 0 : i32
      %dma_start3A_138 = tpu.memref_slice %arg2[%squeeze3A_130, %dma_start3A_137] : memref<1000000x64xf32, #tpu.memory_space<hbm>> -> memref<1x64xf32, #tpu.memory_space<hbm>>
      %dma_start3A_139 = arith.constant 0 : i32
      %dma_start3A_140 = tpu.memref_slice %arg6[%add3A_134, %dma_start3A_139] : memref<768x64xf32, #tpu.memory_space<vmem>> -> memref<1x64xf32, #tpu.memory_space<vmem>>
      %dma_start3A_141 = arith.constant 0 : i32
      %dma_start3A_142 = tpu.memref_slice %arg2[%squeeze3A_130, %dma_start3A_141] : memref<1000000x64xf32, #tpu.memory_space<hbm>> -> memref<1x64xf32, #tpu.memory_space<hbm>>
      tpu.enqueue_dma source(%dma_start3A_142 : memref<1x64xf32, #tpu.memory_space<hbm>>) target(%dma_start3A_140 : memref<1x64xf32, #tpu.memory_space<vmem>>) target_semaphore(%arg7 : memref<!tpu.dma_semaphore, #tpu.memory_space<semaphore_mem>>)
      %slice3A_143 = vector.extract_strided_slice %get3A_19 {offsets = [9], sizes = [1], strides = [1]} : vector<16xi32> to vector<1xi32>
      %squeeze3A_144 = vector.extract %slice3A_143[0] : i32 from vector<1xi32>
      %mul3A_145 = arith.constant 16 : i32
      %mul3A_146 = arith.muli %scan3A_14, %mul3A_145 : i32
      %add3A_147 = arith.constant 9 : i32
      %add3A_148 = arith.addi %mul3A_146, %add3A_147 : i32
      %dma_start3A_149 = arith.constant 0 : i32
      %dma_start3A_150 = tpu.memref_slice %arg6[%add3A_148, %dma_start3A_149] : memref<768x64xf32, #tpu.memory_space<vmem>> -> memref<1x64xf32, #tpu.memory_space<vmem>>
      %dma_start3A_151 = arith.constant 0 : i32
      %dma_start3A_152 = tpu.memref_slice %arg2[%squeeze3A_144, %dma_start3A_151] : memref<1000000x64xf32, #tpu.memory_space<hbm>> -> memref<1x64xf32, #tpu.memory_space<hbm>>
      %dma_start3A_153 = arith.constant 0 : i32
      %dma_start3A_154 = tpu.memref_slice %arg6[%add3A_148, %dma_start3A_153] : memref<768x64xf32, #tpu.memory_space<vmem>> -> memref<1x64xf32, #tpu.memory_space<vmem>>
      %dma_start3A_155 = arith.constant 0 : i32
      %dma_start3A_156 = tpu.memref_slice %arg2[%squeeze3A_144, %dma_start3A_155] : memref<1000000x64xf32, #tpu.memory_space<hbm>> -> memref<1x64xf32, #tpu.memory_space<hbm>>
      tpu.enqueue_dma source(%dma_start3A_156 : memref<1x64xf32, #tpu.memory_space<hbm>>) target(%dma_start3A_154 : memref<1x64xf32, #tpu.memory_space<vmem>>) target_semaphore(%arg7 : memref<!tpu.dma_semaphore, #tpu.memory_space<semaphore_mem>>)
      %slice3A_157 = vector.extract_strided_slice %get3A_19 {offsets = [10], sizes = [1], strides = [1]} : vector<16xi32> to vector<1xi32>
      %squeeze3A_158 = vector.extract %slice3A_157[0] : i32 from vector<1xi32>
      %mul3A_159 = arith.constant 16 : i32
      %mul3A_160 = arith.muli %scan3A_14, %mul3A_159 : i32
      %add3A_161 = arith.constant 10 : i32
      %add3A_162 = arith.addi %mul3A_160, %add3A_161 : i32
      %dma_start3A_163 = arith.constant 0 : i32
      %dma_start3A_164 = tpu.memref_slice %arg6[%add3A_162, %dma_start3A_163] : memref<768x64xf32, #tpu.memory_space<vmem>> -> memref<1x64xf32, #tpu.memory_space<vmem>>
      %dma_start3A_165 = arith.constant 0 : i32
      %dma_start3A_166 = tpu.memref_slice %arg2[%squeeze3A_158, %dma_start3A_165] : memref<1000000x64xf32, #tpu.memory_space<hbm>> -> memref<1x64xf32, #tpu.memory_space<hbm>>
      %dma_start3A_167 = arith.constant 0 : i32
      %dma_start3A_168 = tpu.memref_slice %arg6[%add3A_162, %dma_start3A_167] : memref<768x64xf32, #tpu.memory_space<vmem>> -> memref<1x64xf32, #tpu.memory_space<vmem>>
      %dma_start3A_169 = arith.constant 0 : i32
      %dma_start3A_170 = tpu.memref_slice %arg2[%squeeze3A_158, %dma_start3A_169] : memref<1000000x64xf32, #tpu.memory_space<hbm>> -> memref<1x64xf32, #tpu.memory_space<hbm>>
      tpu.enqueue_dma source(%dma_start3A_170 : memref<1x64xf32, #tpu.memory_space<hbm>>) target(%dma_start3A_168 : memref<1x64xf32, #tpu.memory_space<vmem>>) target_semaphore(%arg7 : memref<!tpu.dma_semaphore, #tpu.memory_space<semaphore_mem>>)
      %slice3A_171 = vector.extract_strided_slice %get3A_19 {offsets = [11], sizes = [1], strides = [1]} : vector<16xi32> to vector<1xi32>
      %squeeze3A_172 = vector.extract %slice3A_171[0] : i32 from vector<1xi32>
      %mul3A_173 = arith.constant 16 : i32
      %mul3A_174 = arith.muli %scan3A_14, %mul3A_173 : i32
      %add3A_175 = arith.constant 11 : i32
      %add3A_176 = arith.addi %mul3A_174, %add3A_175 : i32
      %dma_start3A_177 = arith.constant 0 : i32
      %dma_start3A_178 = tpu.memref_slice %arg6[%add3A_176, %dma_start3A_177] : memref<768x64xf32, #tpu.memory_space<vmem>> -> memref<1x64xf32, #tpu.memory_space<vmem>>
      %dma_start3A_179 = arith.constant 0 : i32
      %dma_start3A_180 = tpu.memref_slice %arg2[%squeeze3A_172, %dma_start3A_179] : memref<1000000x64xf32, #tpu.memory_space<hbm>> -> memref<1x64xf32, #tpu.memory_space<hbm>>
      %dma_start3A_181 = arith.constant 0 : i32
      %dma_start3A_182 = tpu.memref_slice %arg6[%add3A_176, %dma_start3A_181] : memref<768x64xf32, #tpu.memory_space<vmem>> -> memref<1x64xf32, #tpu.memory_space<vmem>>
      %dma_start3A_183 = arith.constant 0 : i32
      %dma_start3A_184 = tpu.memref_slice %arg2[%squeeze3A_172, %dma_start3A_183] : memref<1000000x64xf32, #tpu.memory_space<hbm>> -> memref<1x64xf32, #tpu.memory_space<hbm>>
      tpu.enqueue_dma source(%dma_start3A_184 : memref<1x64xf32, #tpu.memory_space<hbm>>) target(%dma_start3A_182 : memref<1x64xf32, #tpu.memory_space<vmem>>) target_semaphore(%arg7 : memref<!tpu.dma_semaphore, #tpu.memory_space<semaphore_mem>>)
      %slice3A_185 = vector.extract_strided_slice %get3A_19 {offsets = [12], sizes = [1], strides = [1]} : vector<16xi32> to vector<1xi32>
      %squeeze3A_186 = vector.extract %slice3A_185[0] : i32 from vector<1xi32>
      %mul3A_187 = arith.constant 16 : i32
      %mul3A_188 = arith.muli %scan3A_14, %mul3A_187 : i32
      %add3A_189 = arith.constant 12 : i32
      %add3A_190 = arith.addi %mul3A_188, %add3A_189 : i32
      %dma_start3A_191 = arith.constant 0 : i32
      %dma_start3A_192 = tpu.memref_slice %arg6[%add3A_190, %dma_start3A_191] : memref<768x64xf32, #tpu.memory_space<vmem>> -> memref<1x64xf32, #tpu.memory_space<vmem>>
      %dma_start3A_193 = arith.constant 0 : i32
      %dma_start3A_194 = tpu.memref_slice %arg2[%squeeze3A_186, %dma_start3A_193] : memref<1000000x64xf32, #tpu.memory_space<hbm>> -> memref<1x64xf32, #tpu.memory_space<hbm>>
      %dma_start3A_195 = arith.constant 0 : i32
      %dma_start3A_196 = tpu.memref_slice %arg6[%add3A_190, %dma_start3A_195] : memref<768x64xf32, #tpu.memory_space<vmem>> -> memref<1x64xf32, #tpu.memory_space<vmem>>
      %dma_start3A_197 = arith.constant 0 : i32
      %dma_start3A_198 = tpu.memref_slice %arg2[%squeeze3A_186, %dma_start3A_197] : memref<1000000x64xf32, #tpu.memory_space<hbm>> -> memref<1x64xf32, #tpu.memory_space<hbm>>
      tpu.enqueue_dma source(%dma_start3A_198 : memref<1x64xf32, #tpu.memory_space<hbm>>) target(%dma_start3A_196 : memref<1x64xf32, #tpu.memory_space<vmem>>) target_semaphore(%arg7 : memref<!tpu.dma_semaphore, #tpu.memory_space<semaphore_mem>>)
      %slice3A_199 = vector.extract_strided_slice %get3A_19 {offsets = [13], sizes = [1], strides = [1]} : vector<16xi32> to vector<1xi32>
      %squeeze3A_200 = vector.extract %slice3A_199[0] : i32 from vector<1xi32>
      %mul3A_201 = arith.constant 16 : i32
      %mul3A_202 = arith.muli %scan3A_14, %mul3A_201 : i32
      %add3A_203 = arith.constant 13 : i32
      %add3A_204 = arith.addi %mul3A_202, %add3A_203 : i32
      %dma_start3A_205 = arith.constant 0 : i32
      %dma_start3A_206 = tpu.memref_slice %arg6[%add3A_204, %dma_start3A_205] : memref<768x64xf32, #tpu.memory_space<vmem>> -> memref<1x64xf32, #tpu.memory_space<vmem>>
      %dma_start3A_207 = arith.constant 0 : i32
      %dma_start3A_208 = tpu.memref_slice %arg2[%squeeze3A_200, %dma_start3A_207] : memref<1000000x64xf32, #tpu.memory_space<hbm>> -> memref<1x64xf32, #tpu.memory_space<hbm>>
      %dma_start3A_209 = arith.constant 0 : i32
      %dma_start3A_210 = tpu.memref_slice %arg6[%add3A_204, %dma_start3A_209] : memref<768x64xf32, #tpu.memory_space<vmem>> -> memref<1x64xf32, #tpu.memory_space<vmem>>
      %dma_start3A_211 = arith.constant 0 : i32
      %dma_start3A_212 = tpu.memref_slice %arg2[%squeeze3A_200, %dma_start3A_211] : memref<1000000x64xf32, #tpu.memory_space<hbm>> -> memref<1x64xf32, #tpu.memory_space<hbm>>
      tpu.enqueue_dma source(%dma_start3A_212 : memref<1x64xf32, #tpu.memory_space<hbm>>) target(%dma_start3A_210 : memref<1x64xf32, #tpu.memory_space<vmem>>) target_semaphore(%arg7 : memref<!tpu.dma_semaphore, #tpu.memory_space<semaphore_mem>>)
      %slice3A_213 = vector.extract_strided_slice %get3A_19 {offsets = [14], sizes = [1], strides = [1]} : vector<16xi32> to vector<1xi32>
      %squeeze3A_214 = vector.extract %slice3A_213[0] : i32 from vector<1xi32>
      %mul3A_215 = arith.constant 16 : i32
      %mul3A_216 = arith.muli %scan3A_14, %mul3A_215 : i32
      %add3A_217 = arith.constant 14 : i32
      %add3A_218 = arith.addi %mul3A_216, %add3A_217 : i32
      %dma_start3A_219 = arith.constant 0 : i32
      %dma_start3A_220 = tpu.memref_slice %arg6[%add3A_218, %dma_start3A_219] : memref<768x64xf32, #tpu.memory_space<vmem>> -> memref<1x64xf32, #tpu.memory_space<vmem>>
      %dma_start3A_221 = arith.constant 0 : i32
      %dma_start3A_222 = tpu.memref_slice %arg2[%squeeze3A_214, %dma_start3A_221] : memref<1000000x64xf32, #tpu.memory_space<hbm>> -> memref<1x64xf32, #tpu.memory_space<hbm>>
      %dma_start3A_223 = arith.constant 0 : i32
      %dma_start3A_224 = tpu.memref_slice %arg6[%add3A_218, %dma_start3A_223] : memref<768x64xf32, #tpu.memory_space<vmem>> -> memref<1x64xf32, #tpu.memory_space<vmem>>
      %dma_start3A_225 = arith.constant 0 : i32
      %dma_start3A_226 = tpu.memref_slice %arg2[%squeeze3A_214, %dma_start3A_225] : memref<1000000x64xf32, #tpu.memory_space<hbm>> -> memref<1x64xf32, #tpu.memory_space<hbm>>
      tpu.enqueue_dma source(%dma_start3A_226 : memref<1x64xf32, #tpu.memory_space<hbm>>) target(%dma_start3A_224 : memref<1x64xf32, #tpu.memory_space<vmem>>) target_semaphore(%arg7 : memref<!tpu.dma_semaphore, #tpu.memory_space<semaphore_mem>>)
      %slice3A_227 = vector.extract_strided_slice %get3A_19 {offsets = [15], sizes = [1], strides = [1]} : vector<16xi32> to vector<1xi32>
      %squeeze3A_228 = vector.extract %slice3A_227[0] : i32 from vector<1xi32>
      %mul3A_229 = arith.constant 16 : i32
      %mul3A_230 = arith.muli %scan3A_14, %mul3A_229 : i32
      %add3A_231 = arith.constant 15 : i32
      %add3A_232 = arith.addi %mul3A_230, %add3A_231 : i32
      %dma_start3A_233 = arith.constant 0 : i32
      %dma_start3A_234 = tpu.memref_slice %arg6[%add3A_232, %dma_start3A_233] : memref<768x64xf32, #tpu.memory_space<vmem>> -> memref<1x64xf32, #tpu.memory_space<vmem>>
      %dma_start3A_235 = arith.constant 0 : i32
      %dma_start3A_236 = tpu.memref_slice %arg2[%squeeze3A_228, %dma_start3A_235] : memref<1000000x64xf32, #tpu.memory_space<hbm>> -> memref<1x64xf32, #tpu.memory_space<hbm>>
      %dma_start3A_237 = arith.constant 0 : i32
      %dma_start3A_238 = tpu.memref_slice %arg6[%add3A_232, %dma_start3A_237] : memref<768x64xf32, #tpu.memory_space<vmem>> -> memref<1x64xf32, #tpu.memory_space<vmem>>
      %dma_start3A_239 = arith.constant 0 : i32
      %dma_start3A_240 = tpu.memref_slice %arg2[%squeeze3A_228, %dma_start3A_239] : memref<1000000x64xf32, #tpu.memory_space<hbm>> -> memref<1x64xf32, #tpu.memory_space<hbm>>
      tpu.enqueue_dma source(%dma_start3A_240 : memref<1x64xf32, #tpu.memory_space<hbm>>) target(%dma_start3A_238 : memref<1x64xf32, #tpu.memory_space<vmem>>) target_semaphore(%arg7 : memref<!tpu.dma_semaphore, #tpu.memory_space<semaphore_mem>>)
      %scan3A_241 = arith.constant 0 : i32
      scf.yield %scan3A_241 : i32
    }
    %scan3A_6 = arith.constant 48 : i32
    %dma_wait3A = arith.constant 0 : i32
    %dma_wait3A_7 = arith.constant 0 : i32
    %dma_wait3A_8 = tpu.memref_slice %arg2[%dma_wait3A, %dma_wait3A_7] : memref<1000000x64xf32, #tpu.memory_space<hbm>> -> memref<768x64xf32, #tpu.memory_space<hbm>>
    %dma_wait3A_9 = arith.constant 0 : i32
    %dma_wait3A_10 = arith.constant 0 : i32
    %dma_wait3A_11 = tpu.memref_slice %arg2[%dma_wait3A_9, %dma_wait3A_10] : memref<1000000x64xf32, #tpu.memory_space<hbm>> -> memref<768x64xf32, #tpu.memory_space<hbm>>
    tpu.wait_dma2 semaphore(%arg7 : memref<!tpu.dma_semaphore, #tpu.memory_space<semaphore_mem>>) src(%dma_wait3A_11 : memref<768x64xf32, #tpu.memory_space<hbm>>) dst(%arg6 : memref<768x64xf32, #tpu.memory_space<vmem>>)
    %mul3A_12 = arith.constant 768 : i32
    %mul3A_13 = arith.muli %add3A, %mul3A_12 : i32
    "tpu.region"() ({
      %run_scoped3A = tpu.sem_alloc : memref<!tpu.dma_semaphore, #tpu.memory_space<semaphore_mem>>
      %dma_start3A = arith.constant 0 : i32
      %dma_start3A_14 = tpu.memref_slice %arg4[%mul3A_13, %dma_start3A] : memref<24576x64xf32, #tpu.memory_space<hbm>> -> memref<768x64xf32, #tpu.memory_space<hbm>>
      %dma_start3A_15 = arith.constant 0 : i32
      %dma_start3A_16 = tpu.memref_slice %arg4[%mul3A_13, %dma_start3A_15] : memref<24576x64xf32, #tpu.memory_space<hbm>> -> memref<768x64xf32, #tpu.memory_space<hbm>>
      tpu.enqueue_dma source(%arg6 : memref<768x64xf32, #tpu.memory_space<vmem>>) target(%dma_start3A_16 : memref<768x64xf32, #tpu.memory_space<hbm>>) target_semaphore(%run_scoped3A : memref<!tpu.dma_semaphore, #tpu.memory_space<semaphore_mem>>)
      %dma_wait3A_17 = arith.constant 0 : i32
      %dma_wait3A_18 = tpu.memref_slice %arg4[%mul3A_13, %dma_wait3A_17] : memref<24576x64xf32, #tpu.memory_space<hbm>> -> memref<768x64xf32, #tpu.memory_space<hbm>>
      %dma_wait3A_19 = arith.constant 0 : i32
      %dma_wait3A_20 = tpu.memref_slice %arg4[%mul3A_13, %dma_wait3A_19] : memref<24576x64xf32, #tpu.memory_space<hbm>> -> memref<768x64xf32, #tpu.memory_space<hbm>>
      tpu.wait_dma2 semaphore(%run_scoped3A : memref<!tpu.dma_semaphore, #tpu.memory_space<semaphore_mem>>) src(%arg6 : memref<768x64xf32, #tpu.memory_space<vmem>>) dst(%dma_wait3A_20 : memref<768x64xf32, #tpu.memory_space<hbm>>)
      tpu.yield
    }) : () -> ()
    return
  }
}

#map = affine_map<(d0, d1) -> (0, 0)>
module attributes {stable_mosaic.version = 14 : i64} {
  func.func @gather_k(%arg0: i32, %arg1: i32, %arg2: memref<1000000x64xf32, #tpu.memory_space<hbm>>, %arg3: memref<32x768xi32, #tpu.memory_space<hbm>>, %arg4: memref<24576x64xf32, #tpu.memory_space<hbm>>, %arg5: memref<768xi32, #tpu.memory_space<vmem>>, %arg6: memref<768x64xf32, #tpu.memory_space<vmem>>, %arg7: memref<!tpu.dma_semaphore, #tpu.memory_space<semaphore_mem>>) attributes {dimension_semantics = [#tpu.dimension_semantics<core_parallel>, #tpu.dimension_semantics<subcore_parallel>], iteration_bounds = array<i64: 2, 16>, scalar_prefetch = 0 : i64, scratch_operands = 3 : i64, tpu.core_type = #tpu.core_type<sc_vector_subcore>, window_params = [{transform_indices = #map}, {transform_indices = #map}, {transform_indices = #map}]} {
    %mul3A = arith.constant 2 : i32
    %mul3A_0 = arith.muli %arg1, %mul3A : i32
    %add3A = arith.addi %mul3A_0, %arg0 : i32
    "tpu.region"() ({
      %run_scoped3A = tpu.sem_alloc : memref<!tpu.dma_semaphore, #tpu.memory_space<semaphore_mem>>
      %dma_start3A = arith.constant 0 : i32
      %dma_start3A_14 = tpu.memref_slice %arg3[%add3A, %dma_start3A] : memref<32x768xi32, #tpu.memory_space<hbm>> -> memref<1x768xi32, #tpu.memory_space<hbm>>
      %dma_start3A_15 = tpu.memref_squeeze %dma_start3A_14 : memref<1x768xi32, #tpu.memory_space<hbm>> -> memref<768xi32, #tpu.memory_space<hbm>>
      %dma_start3A_16 = arith.constant 0 : i32
      %dma_start3A_17 = tpu.memref_slice %arg3[%add3A, %dma_start3A_16] : memref<32x768xi32, #tpu.memory_space<hbm>> -> memref<1x768xi32, #tpu.memory_space<hbm>>
      %dma_start3A_18 = tpu.memref_squeeze %dma_start3A_17 : memref<1x768xi32, #tpu.memory_space<hbm>> -> memref<768xi32, #tpu.memory_space<hbm>>
      tpu.enqueue_dma source(%dma_start3A_18 : memref<768xi32, #tpu.memory_space<hbm>>) target(%arg5 : memref<768xi32, #tpu.memory_space<vmem>>) target_semaphore(%run_scoped3A : memref<!tpu.dma_semaphore, #tpu.memory_space<semaphore_mem>>)
      %dma_wait3A_19 = arith.constant 0 : i32
      %dma_wait3A_20 = tpu.memref_slice %arg3[%add3A, %dma_wait3A_19] : memref<32x768xi32, #tpu.memory_space<hbm>> -> memref<1x768xi32, #tpu.memory_space<hbm>>
      %dma_wait3A_21 = tpu.memref_squeeze %dma_wait3A_20 : memref<1x768xi32, #tpu.memory_space<hbm>> -> memref<768xi32, #tpu.memory_space<hbm>>
      %dma_wait3A_22 = arith.constant 0 : i32
      %dma_wait3A_23 = tpu.memref_slice %arg3[%add3A, %dma_wait3A_22] : memref<32x768xi32, #tpu.memory_space<hbm>> -> memref<1x768xi32, #tpu.memory_space<hbm>>
      %dma_wait3A_24 = tpu.memref_squeeze %dma_wait3A_23 : memref<1x768xi32, #tpu.memory_space<hbm>> -> memref<768xi32, #tpu.memory_space<hbm>>
      tpu.wait_dma2 semaphore(%run_scoped3A : memref<!tpu.dma_semaphore, #tpu.memory_space<semaphore_mem>>) src(%dma_wait3A_24 : memref<768xi32, #tpu.memory_space<hbm>>) dst(%arg5 : memref<768xi32, #tpu.memory_space<vmem>>)
      tpu.yield
    }) : () -> ()
    %scan3A = arith.constant 0 : i32
    %scan3A_1 = arith.constant 0 : i32
    %scan3A_2 = arith.constant 48 : i32
    %scan3A_3 = arith.addi %scan3A_1, %scan3A_2 : i32
    %scan3A_4 = arith.constant 1 : i32
    %scan3A_5 = scf.for %scan3A_14 = %scan3A_1 to %scan3A_3 step %scan3A_4 iter_args(%scan3A_15 = %scan3A) -> (i32)  : i32 {
      %mul3A_16 = arith.constant 16 : i32
      %mul3A_17 = arith.muli %scan3A_14, %mul3A_16 : i32
      %get3A = arith.index_cast %mul3A_17 : i32 to index
      %get3A_18 = tpu.vector_load %arg5[%get3A] {strides = array<i32>} : memref<768xi32, #tpu.memory_space<vmem>>, vector<16xi32>,
      %get3A_19 = vector.shape_cast %get3A_18 : vector<16xi32> to vector<16xi32>
      %slice3A = vector.extract_strided_slice %get3A_19 {offsets = [0], sizes = [1], strides = [1]} : vector<16xi32> to vector<1xi32>
      %squeeze3A = vector.extract %slice3A[0] : i32 from vector<1xi32>
      %mul3A_20 = arith.constant 16 : i32
      %mul3A_21 = arith.muli %scan3A_14, %mul3A_20 : i32
      %add3A_22 = arith.constant 0 : i32
      %add3A_23 = arith.addi %mul3A_21, %add3A_22 : i32
      %dma_start3A = arith.constant 0 : i32
      %dma_start3A_24 = tpu.memref_slice %arg6[%add3A_23, %dma_start3A] : memref<768x64xf32, #tpu.memory_space<vmem>> -> memref<1x64xf32, #tpu.memory_space<vmem>>
      %dma_start3A_25 = arith.constant 0 : i32
      %dma_start3A_26 = tpu.memref_slice %arg2[%squeeze3A, %dma_start3A_25] : memref<1000000x64xf32, #tpu.memory_space<hbm>> -> memref<1x64xf32, #tpu.memory_space<hbm>>
      %dma_start3A_27 = arith.constant 0 : i32
      %dma_start3A_28 = tpu.memref_slice %arg6[%add3A_23, %dma_start3A_27] : memref<768x64xf32, #tpu.memory_space<vmem>> -> memref<1x64xf32, #tpu.memory_space<vmem>>
      %dma_start3A_29 = arith.constant 0 : i32
      %dma_start3A_30 = tpu.memref_slice %arg2[%squeeze3A, %dma_start3A_29] : memref<1000000x64xf32, #tpu.memory_space<hbm>> -> memref<1x64xf32, #tpu.memory_space<hbm>>
      tpu.enqueue_dma source(%dma_start3A_30 : memref<1x64xf32, #tpu.memory_space<hbm>>) target(%dma_start3A_28 : memref<1x64xf32, #tpu.memory_space<vmem>>) target_semaphore(%arg7 : memref<!tpu.dma_semaphore, #tpu.memory_space<semaphore_mem>>)
      %slice3A_31 = vector.extract_strided_slice %get3A_19 {offsets = [1], sizes = [1], strides = [1]} : vector<16xi32> to vector<1xi32>
      %squeeze3A_32 = vector.extract %slice3A_31[0] : i32 from vector<1xi32>
      %mul3A_33 = arith.constant 16 : i32
      %mul3A_34 = arith.muli %scan3A_14, %mul3A_33 : i32
      %add3A_35 = arith.constant 1 : i32
      %add3A_36 = arith.addi %mul3A_34, %add3A_35 : i32
      %dma_start3A_37 = arith.constant 0 : i32
      %dma_start3A_38 = tpu.memref_slice %arg6[%add3A_36, %dma_start3A_37] : memref<768x64xf32, #tpu.memory_space<vmem>> -> memref<1x64xf32, #tpu.memory_space<vmem>>
      %dma_start3A_39 = arith.constant 0 : i32
      %dma_start3A_40 = tpu.memref_slice %arg2[%squeeze3A_32, %dma_start3A_39] : memref<1000000x64xf32, #tpu.memory_space<hbm>> -> memref<1x64xf32, #tpu.memory_space<hbm>>
      %dma_start3A_41 = arith.constant 0 : i32
      %dma_start3A_42 = tpu.memref_slice %arg6[%add3A_36, %dma_start3A_41] : memref<768x64xf32, #tpu.memory_space<vmem>> -> memref<1x64xf32, #tpu.memory_space<vmem>>
      %dma_start3A_43 = arith.constant 0 : i32
      %dma_start3A_44 = tpu.memref_slice %arg2[%squeeze3A_32, %dma_start3A_43] : memref<1000000x64xf32, #tpu.memory_space<hbm>> -> memref<1x64xf32, #tpu.memory_space<hbm>>
      tpu.enqueue_dma source(%dma_start3A_44 : memref<1x64xf32, #tpu.memory_space<hbm>>) target(%dma_start3A_42 : memref<1x64xf32, #tpu.memory_space<vmem>>) target_semaphore(%arg7 : memref<!tpu.dma_semaphore, #tpu.memory_space<semaphore_mem>>)
      %slice3A_45 = vector.extract_strided_slice %get3A_19 {offsets = [2], sizes = [1], strides = [1]} : vector<16xi32> to vector<1xi32>
      %squeeze3A_46 = vector.extract %slice3A_45[0] : i32 from vector<1xi32>
      %mul3A_47 = arith.constant 16 : i32
      %mul3A_48 = arith.muli %scan3A_14, %mul3A_47 : i32
      %add3A_49 = arith.constant 2 : i32
      %add3A_50 = arith.addi %mul3A_48, %add3A_49 : i32
      %dma_start3A_51 = arith.constant 0 : i32
      %dma_start3A_52 = tpu.memref_slice %arg6[%add3A_50, %dma_start3A_51] : memref<768x64xf32, #tpu.memory_space<vmem>> -> memref<1x64xf32, #tpu.memory_space<vmem>>
      %dma_start3A_53 = arith.constant 0 : i32
      %dma_start3A_54 = tpu.memref_slice %arg2[%squeeze3A_46, %dma_start3A_53] : memref<1000000x64xf32, #tpu.memory_space<hbm>> -> memref<1x64xf32, #tpu.memory_space<hbm>>
      %dma_start3A_55 = arith.constant 0 : i32
      %dma_start3A_56 = tpu.memref_slice %arg6[%add3A_50, %dma_start3A_55] : memref<768x64xf32, #tpu.memory_space<vmem>> -> memref<1x64xf32, #tpu.memory_space<vmem>>
      %dma_start3A_57 = arith.constant 0 : i32
      %dma_start3A_58 = tpu.memref_slice %arg2[%squeeze3A_46, %dma_start3A_57] : memref<1000000x64xf32, #tpu.memory_space<hbm>> -> memref<1x64xf32, #tpu.memory_space<hbm>>
      tpu.enqueue_dma source(%dma_start3A_58 : memref<1x64xf32, #tpu.memory_space<hbm>>) target(%dma_start3A_56 : memref<1x64xf32, #tpu.memory_space<vmem>>) target_semaphore(%arg7 : memref<!tpu.dma_semaphore, #tpu.memory_space<semaphore_mem>>)
      %slice3A_59 = vector.extract_strided_slice %get3A_19 {offsets = [3], sizes = [1], strides = [1]} : vector<16xi32> to vector<1xi32>
      %squeeze3A_60 = vector.extract %slice3A_59[0] : i32 from vector<1xi32>
      %mul3A_61 = arith.constant 16 : i32
      %mul3A_62 = arith.muli %scan3A_14, %mul3A_61 : i32
      %add3A_63 = arith.constant 3 : i32
      %add3A_64 = arith.addi %mul3A_62, %add3A_63 : i32
      %dma_start3A_65 = arith.constant 0 : i32
      %dma_start3A_66 = tpu.memref_slice %arg6[%add3A_64, %dma_start3A_65] : memref<768x64xf32, #tpu.memory_space<vmem>> -> memref<1x64xf32, #tpu.memory_space<vmem>>
      %dma_start3A_67 = arith.constant 0 : i32
      %dma_start3A_68 = tpu.memref_slice %arg2[%squeeze3A_60, %dma_start3A_67] : memref<1000000x64xf32, #tpu.memory_space<hbm>> -> memref<1x64xf32, #tpu.memory_space<hbm>>
      %dma_start3A_69 = arith.constant 0 : i32
      %dma_start3A_70 = tpu.memref_slice %arg6[%add3A_64, %dma_start3A_69] : memref<768x64xf32, #tpu.memory_space<vmem>> -> memref<1x64xf32, #tpu.memory_space<vmem>>
      %dma_start3A_71 = arith.constant 0 : i32
      %dma_start3A_72 = tpu.memref_slice %arg2[%squeeze3A_60, %dma_start3A_71] : memref<1000000x64xf32, #tpu.memory_space<hbm>> -> memref<1x64xf32, #tpu.memory_space<hbm>>
      tpu.enqueue_dma source(%dma_start3A_72 : memref<1x64xf32, #tpu.memory_space<hbm>>) target(%dma_start3A_70 : memref<1x64xf32, #tpu.memory_space<vmem>>) target_semaphore(%arg7 : memref<!tpu.dma_semaphore, #tpu.memory_space<semaphore_mem>>)
      %slice3A_73 = vector.extract_strided_slice %get3A_19 {offsets = [4], sizes = [1], strides = [1]} : vector<16xi32> to vector<1xi32>
      %squeeze3A_74 = vector.extract %slice3A_73[0] : i32 from vector<1xi32>
      %mul3A_75 = arith.constant 16 : i32
      %mul3A_76 = arith.muli %scan3A_14, %mul3A_75 : i32
      %add3A_77 = arith.constant 4 : i32
      %add3A_78 = arith.addi %mul3A_76, %add3A_77 : i32
      %dma_start3A_79 = arith.constant 0 : i32
      %dma_start3A_80 = tpu.memref_slice %arg6[%add3A_78, %dma_start3A_79] : memref<768x64xf32, #tpu.memory_space<vmem>> -> memref<1x64xf32, #tpu.memory_space<vmem>>
      %dma_start3A_81 = arith.constant 0 : i32
      %dma_start3A_82 = tpu.memref_slice %arg2[%squeeze3A_74, %dma_start3A_81] : memref<1000000x64xf32, #tpu.memory_space<hbm>> -> memref<1x64xf32, #tpu.memory_space<hbm>>
      %dma_start3A_83 = arith.constant 0 : i32
      %dma_start3A_84 = tpu.memref_slice %arg6[%add3A_78, %dma_start3A_83] : memref<768x64xf32, #tpu.memory_space<vmem>> -> memref<1x64xf32, #tpu.memory_space<vmem>>
      %dma_start3A_85 = arith.constant 0 : i32
      %dma_start3A_86 = tpu.memref_slice %arg2[%squeeze3A_74, %dma_start3A_85] : memref<1000000x64xf32, #tpu.memory_space<hbm>> -> memref<1x64xf32, #tpu.memory_space<hbm>>
      tpu.enqueue_dma source(%dma_start3A_86 : memref<1x64xf32, #tpu.memory_space<hbm>>) target(%dma_start3A_84 : memref<1x64xf32, #tpu.memory_space<vmem>>) target_semaphore(%arg7 : memref<!tpu.dma_semaphore, #tpu.memory_space<semaphore_mem>>)
      %slice3A_87 = vector.extract_strided_slice %get3A_19 {offsets = [5], sizes = [1], strides = [1]} : vector<16xi32> to vector<1xi32>
      %squeeze3A_88 = vector.extract %slice3A_87[0] : i32 from vector<1xi32>
      %mul3A_89 = arith.constant 16 : i32
      %mul3A_90 = arith.muli %scan3A_14, %mul3A_89 : i32
      %add3A_91 = arith.constant 5 : i32
      %add3A_92 = arith.addi %mul3A_90, %add3A_91 : i32
      %dma_start3A_93 = arith.constant 0 : i32
      %dma_start3A_94 = tpu.memref_slice %arg6[%add3A_92, %dma_start3A_93] : memref<768x64xf32, #tpu.memory_space<vmem>> -> memref<1x64xf32, #tpu.memory_space<vmem>>
      %dma_start3A_95 = arith.constant 0 : i32
      %dma_start3A_96 = tpu.memref_slice %arg2[%squeeze3A_88, %dma_start3A_95] : memref<1000000x64xf32, #tpu.memory_space<hbm>> -> memref<1x64xf32, #tpu.memory_space<hbm>>
      %dma_start3A_97 = arith.constant 0 : i32
      %dma_start3A_98 = tpu.memref_slice %arg6[%add3A_92, %dma_start3A_97] : memref<768x64xf32, #tpu.memory_space<vmem>> -> memref<1x64xf32, #tpu.memory_space<vmem>>
      %dma_start3A_99 = arith.constant 0 : i32
      %dma_start3A_100 = tpu.memref_slice %arg2[%squeeze3A_88, %dma_start3A_99] : memref<1000000x64xf32, #tpu.memory_space<hbm>> -> memref<1x64xf32, #tpu.memory_space<hbm>>
      tpu.enqueue_dma source(%dma_start3A_100 : memref<1x64xf32, #tpu.memory_space<hbm>>) target(%dma_start3A_98 : memref<1x64xf32, #tpu.memory_space<vmem>>) target_semaphore(%arg7 : memref<!tpu.dma_semaphore, #tpu.memory_space<semaphore_mem>>)
      %slice3A_101 = vector.extract_strided_slice %get3A_19 {offsets = [6], sizes = [1], strides = [1]} : vector<16xi32> to vector<1xi32>
      %squeeze3A_102 = vector.extract %slice3A_101[0] : i32 from vector<1xi32>
      %mul3A_103 = arith.constant 16 : i32
      %mul3A_104 = arith.muli %scan3A_14, %mul3A_103 : i32
      %add3A_105 = arith.constant 6 : i32
      %add3A_106 = arith.addi %mul3A_104, %add3A_105 : i32
      %dma_start3A_107 = arith.constant 0 : i32
      %dma_start3A_108 = tpu.memref_slice %arg6[%add3A_106, %dma_start3A_107] : memref<768x64xf32, #tpu.memory_space<vmem>> -> memref<1x64xf32, #tpu.memory_space<vmem>>
      %dma_start3A_109 = arith.constant 0 : i32
      %dma_start3A_110 = tpu.memref_slice %arg2[%squeeze3A_102, %dma_start3A_109] : memref<1000000x64xf32, #tpu.memory_space<hbm>> -> memref<1x64xf32, #tpu.memory_space<hbm>>
      %dma_start3A_111 = arith.constant 0 : i32
      %dma_start3A_112 = tpu.memref_slice %arg6[%add3A_106, %dma_start3A_111] : memref<768x64xf32, #tpu.memory_space<vmem>> -> memref<1x64xf32, #tpu.memory_space<vmem>>
      %dma_start3A_113 = arith.constant 0 : i32
      %dma_start3A_114 = tpu.memref_slice %arg2[%squeeze3A_102, %dma_start3A_113] : memref<1000000x64xf32, #tpu.memory_space<hbm>> -> memref<1x64xf32, #tpu.memory_space<hbm>>
      tpu.enqueue_dma source(%dma_start3A_114 : memref<1x64xf32, #tpu.memory_space<hbm>>) target(%dma_start3A_112 : memref<1x64xf32, #tpu.memory_space<vmem>>) target_semaphore(%arg7 : memref<!tpu.dma_semaphore, #tpu.memory_space<semaphore_mem>>)
      %slice3A_115 = vector.extract_strided_slice %get3A_19 {offsets = [7], sizes = [1], strides = [1]} : vector<16xi32> to vector<1xi32>
      %squeeze3A_116 = vector.extract %slice3A_115[0] : i32 from vector<1xi32>
      %mul3A_117 = arith.constant 16 : i32
      %mul3A_118 = arith.muli %scan3A_14, %mul3A_117 : i32
      %add3A_119 = arith.constant 7 : i32
      %add3A_120 = arith.addi %mul3A_118, %add3A_119 : i32
      %dma_start3A_121 = arith.constant 0 : i32
      %dma_start3A_122 = tpu.memref_slice %arg6[%add3A_120, %dma_start3A_121] : memref<768x64xf32, #tpu.memory_space<vmem>> -> memref<1x64xf32, #tpu.memory_space<vmem>>
      %dma_start3A_123 = arith.constant 0 : i32
      %dma_start3A_124 = tpu.memref_slice %arg2[%squeeze3A_116, %dma_start3A_123] : memref<1000000x64xf32, #tpu.memory_space<hbm>> -> memref<1x64xf32, #tpu.memory_space<hbm>>
      %dma_start3A_125 = arith.constant 0 : i32
      %dma_start3A_126 = tpu.memref_slice %arg6[%add3A_120, %dma_start3A_125] : memref<768x64xf32, #tpu.memory_space<vmem>> -> memref<1x64xf32, #tpu.memory_space<vmem>>
      %dma_start3A_127 = arith.constant 0 : i32
      %dma_start3A_128 = tpu.memref_slice %arg2[%squeeze3A_116, %dma_start3A_127] : memref<1000000x64xf32, #tpu.memory_space<hbm>> -> memref<1x64xf32, #tpu.memory_space<hbm>>
      tpu.enqueue_dma source(%dma_start3A_128 : memref<1x64xf32, #tpu.memory_space<hbm>>) target(%dma_start3A_126 : memref<1x64xf32, #tpu.memory_space<vmem>>) target_semaphore(%arg7 : memref<!tpu.dma_semaphore, #tpu.memory_space<semaphore_mem>>)
      %slice3A_129 = vector.extract_strided_slice %get3A_19 {offsets = [8], sizes = [1], strides = [1]} : vector<16xi32> to vector<1xi32>
      %squeeze3A_130 = vector.extract %slice3A_129[0] : i32 from vector<1xi32>
      %mul3A_131 = arith.constant 16 : i32
      %mul3A_132 = arith.muli %scan3A_14, %mul3A_131 : i32
      %add3A_133 = arith.constant 8 : i32
      %add3A_134 = arith.addi %mul3A_132, %add3A_133 : i32
      %dma_start3A_135 = arith.constant 0 : i32
      %dma_start3A_136 = tpu.memref_slice %arg6[%add3A_134, %dma_start3A_135] : memref<768x64xf32, #tpu.memory_space<vmem>> -> memref<1x64xf32, #tpu.memory_space<vmem>>
      %dma_start3A_137 = arith.constant 0 : i32
      %dma_start3A_138 = tpu.memref_slice %arg2[%squeeze3A_130, %dma_start3A_137] : memref<1000000x64xf32, #tpu.memory_space<hbm>> -> memref<1x64xf32, #tpu.memory_space<hbm>>
      %dma_start3A_139 = arith.constant 0 : i32
      %dma_start3A_140 = tpu.memref_slice %arg6[%add3A_134, %dma_start3A_139] : memref<768x64xf32, #tpu.memory_space<vmem>> -> memref<1x64xf32, #tpu.memory_space<vmem>>
      %dma_start3A_141 = arith.constant 0 : i32
      %dma_start3A_142 = tpu.memref_slice %arg2[%squeeze3A_130, %dma_start3A_141] : memref<1000000x64xf32, #tpu.memory_space<hbm>> -> memref<1x64xf32, #tpu.memory_space<hbm>>
      tpu.enqueue_dma source(%dma_start3A_142 : memref<1x64xf32, #tpu.memory_space<hbm>>) target(%dma_start3A_140 : memref<1x64xf32, #tpu.memory_space<vmem>>) target_semaphore(%arg7 : memref<!tpu.dma_semaphore, #tpu.memory_space<semaphore_mem>>)
      %slice3A_143 = vector.extract_strided_slice %get3A_19 {offsets = [9], sizes = [1], strides = [1]} : vector<16xi32> to vector<1xi32>
      %squeeze3A_144 = vector.extract %slice3A_143[0] : i32 from vector<1xi32>
      %mul3A_145 = arith.constant 16 : i32
      %mul3A_146 = arith.muli %scan3A_14, %mul3A_145 : i32
      %add3A_147 = arith.constant 9 : i32
      %add3A_148 = arith.addi %mul3A_146, %add3A_147 : i32
      %dma_start3A_149 = arith.constant 0 : i32
      %dma_start3A_150 = tpu.memref_slice %arg6[%add3A_148, %dma_start3A_149] : memref<768x64xf32, #tpu.memory_space<vmem>> -> memref<1x64xf32, #tpu.memory_space<vmem>>
      %dma_start3A_151 = arith.constant 0 : i32
      %dma_start3A_152 = tpu.memref_slice %arg2[%squeeze3A_144, %dma_start3A_151] : memref<1000000x64xf32, #tpu.memory_space<hbm>> -> memref<1x64xf32, #tpu.memory_space<hbm>>
      %dma_start3A_153 = arith.constant 0 : i32
      %dma_start3A_154 = tpu.memref_slice %arg6[%add3A_148, %dma_start3A_153] : memref<768x64xf32, #tpu.memory_space<vmem>> -> memref<1x64xf32, #tpu.memory_space<vmem>>
      %dma_start3A_155 = arith.constant 0 : i32
      %dma_start3A_156 = tpu.memref_slice %arg2[%squeeze3A_144, %dma_start3A_155] : memref<1000000x64xf32, #tpu.memory_space<hbm>> -> memref<1x64xf32, #tpu.memory_space<hbm>>
      tpu.enqueue_dma source(%dma_start3A_156 : memref<1x64xf32, #tpu.memory_space<hbm>>) target(%dma_start3A_154 : memref<1x64xf32, #tpu.memory_space<vmem>>) target_semaphore(%arg7 : memref<!tpu.dma_semaphore, #tpu.memory_space<semaphore_mem>>)
      %slice3A_157 = vector.extract_strided_slice %get3A_19 {offsets = [10], sizes = [1], strides = [1]} : vector<16xi32> to vector<1xi32>
      %squeeze3A_158 = vector.extract %slice3A_157[0] : i32 from vector<1xi32>
      %mul3A_159 = arith.constant 16 : i32
      %mul3A_160 = arith.muli %scan3A_14, %mul3A_159 : i32
      %add3A_161 = arith.constant 10 : i32
      %add3A_162 = arith.addi %mul3A_160, %add3A_161 : i32
      %dma_start3A_163 = arith.constant 0 : i32
      %dma_start3A_164 = tpu.memref_slice %arg6[%add3A_162, %dma_start3A_163] : memref<768x64xf32, #tpu.memory_space<vmem>> -> memref<1x64xf32, #tpu.memory_space<vmem>>
      %dma_start3A_165 = arith.constant 0 : i32
      %dma_start3A_166 = tpu.memref_slice %arg2[%squeeze3A_158, %dma_start3A_165] : memref<1000000x64xf32, #tpu.memory_space<hbm>> -> memref<1x64xf32, #tpu.memory_space<hbm>>
      %dma_start3A_167 = arith.constant 0 : i32
      %dma_start3A_168 = tpu.memref_slice %arg6[%add3A_162, %dma_start3A_167] : memref<768x64xf32, #tpu.memory_space<vmem>> -> memref<1x64xf32, #tpu.memory_space<vmem>>
      %dma_start3A_169 = arith.constant 0 : i32
      %dma_start3A_170 = tpu.memref_slice %arg2[%squeeze3A_158, %dma_start3A_169] : memref<1000000x64xf32, #tpu.memory_space<hbm>> -> memref<1x64xf32, #tpu.memory_space<hbm>>
      tpu.enqueue_dma source(%dma_start3A_170 : memref<1x64xf32, #tpu.memory_space<hbm>>) target(%dma_start3A_168 : memref<1x64xf32, #tpu.memory_space<vmem>>) target_semaphore(%arg7 : memref<!tpu.dma_semaphore, #tpu.memory_space<semaphore_mem>>)
      %slice3A_171 = vector.extract_strided_slice %get3A_19 {offsets = [11], sizes = [1], strides = [1]} : vector<16xi32> to vector<1xi32>
      %squeeze3A_172 = vector.extract %slice3A_171[0] : i32 from vector<1xi32>
      %mul3A_173 = arith.constant 16 : i32
      %mul3A_174 = arith.muli %scan3A_14, %mul3A_173 : i32
      %add3A_175 = arith.constant 11 : i32
      %add3A_176 = arith.addi %mul3A_174, %add3A_175 : i32
      %dma_start3A_177 = arith.constant 0 : i32
      %dma_start3A_178 = tpu.memref_slice %arg6[%add3A_176, %dma_start3A_177] : memref<768x64xf32, #tpu.memory_space<vmem>> -> memref<1x64xf32, #tpu.memory_space<vmem>>
      %dma_start3A_179 = arith.constant 0 : i32
      %dma_start3A_180 = tpu.memref_slice %arg2[%squeeze3A_172, %dma_start3A_179] : memref<1000000x64xf32, #tpu.memory_space<hbm>> -> memref<1x64xf32, #tpu.memory_space<hbm>>
      %dma_start3A_181 = arith.constant 0 : i32
      %dma_start3A_182 = tpu.memref_slice %arg6[%add3A_176, %dma_start3A_181] : memref<768x64xf32, #tpu.memory_space<vmem>> -> memref<1x64xf32, #tpu.memory_space<vmem>>
      %dma_start3A_183 = arith.constant 0 : i32
      %dma_start3A_184 = tpu.memref_slice %arg2[%squeeze3A_172, %dma_start3A_183] : memref<1000000x64xf32, #tpu.memory_space<hbm>> -> memref<1x64xf32, #tpu.memory_space<hbm>>
      tpu.enqueue_dma source(%dma_start3A_184 : memref<1x64xf32, #tpu.memory_space<hbm>>) target(%dma_start3A_182 : memref<1x64xf32, #tpu.memory_space<vmem>>) target_semaphore(%arg7 : memref<!tpu.dma_semaphore, #tpu.memory_space<semaphore_mem>>)
      %slice3A_185 = vector.extract_strided_slice %get3A_19 {offsets = [12], sizes = [1], strides = [1]} : vector<16xi32> to vector<1xi32>
      %squeeze3A_186 = vector.extract %slice3A_185[0] : i32 from vector<1xi32>
      %mul3A_187 = arith.constant 16 : i32
      %mul3A_188 = arith.muli %scan3A_14, %mul3A_187 : i32
      %add3A_189 = arith.constant 12 : i32
      %add3A_190 = arith.addi %mul3A_188, %add3A_189 : i32
      %dma_start3A_191 = arith.constant 0 : i32
      %dma_start3A_192 = tpu.memref_slice %arg6[%add3A_190, %dma_start3A_191] : memref<768x64xf32, #tpu.memory_space<vmem>> -> memref<1x64xf32, #tpu.memory_space<vmem>>
      %dma_start3A_193 = arith.constant 0 : i32
      %dma_start3A_194 = tpu.memref_slice %arg2[%squeeze3A_186, %dma_start3A_193] : memref<1000000x64xf32, #tpu.memory_space<hbm>> -> memref<1x64xf32, #tpu.memory_space<hbm>>
      %dma_start3A_195 = arith.constant 0 : i32
      %dma_start3A_196 = tpu.memref_slice %arg6[%add3A_190, %dma_start3A_195] : memref<768x64xf32, #tpu.memory_space<vmem>> -> memref<1x64xf32, #tpu.memory_space<vmem>>
      %dma_start3A_197 = arith.constant 0 : i32
      %dma_start3A_198 = tpu.memref_slice %arg2[%squeeze3A_186, %dma_start3A_197] : memref<1000000x64xf32, #tpu.memory_space<hbm>> -> memref<1x64xf32, #tpu.memory_space<hbm>>
      tpu.enqueue_dma source(%dma_start3A_198 : memref<1x64xf32, #tpu.memory_space<hbm>>) target(%dma_start3A_196 : memref<1x64xf32, #tpu.memory_space<vmem>>) target_semaphore(%arg7 : memref<!tpu.dma_semaphore, #tpu.memory_space<semaphore_mem>>)
      %slice3A_199 = vector.extract_strided_slice %get3A_19 {offsets = [13], sizes = [1], strides = [1]} : vector<16xi32> to vector<1xi32>
      %squeeze3A_200 = vector.extract %slice3A_199[0] : i32 from vector<1xi32>
      %mul3A_201 = arith.constant 16 : i32
      %mul3A_202 = arith.muli %scan3A_14, %mul3A_201 : i32
      %add3A_203 = arith.constant 13 : i32
      %add3A_204 = arith.addi %mul3A_202, %add3A_203 : i32
      %dma_start3A_205 = arith.constant 0 : i32
      %dma_start3A_206 = tpu.memref_slice %arg6[%add3A_204, %dma_start3A_205] : memref<768x64xf32, #tpu.memory_space<vmem>> -> memref<1x64xf32, #tpu.memory_space<vmem>>
      %dma_start3A_207 = arith.constant 0 : i32
      %dma_start3A_208 = tpu.memref_slice %arg2[%squeeze3A_200, %dma_start3A_207] : memref<1000000x64xf32, #tpu.memory_space<hbm>> -> memref<1x64xf32, #tpu.memory_space<hbm>>
      %dma_start3A_209 = arith.constant 0 : i32
      %dma_start3A_210 = tpu.memref_slice %arg6[%add3A_204, %dma_start3A_209] : memref<768x64xf32, #tpu.memory_space<vmem>> -> memref<1x64xf32, #tpu.memory_space<vmem>>
      %dma_start3A_211 = arith.constant 0 : i32
      %dma_start3A_212 = tpu.memref_slice %arg2[%squeeze3A_200, %dma_start3A_211] : memref<1000000x64xf32, #tpu.memory_space<hbm>> -> memref<1x64xf32, #tpu.memory_space<hbm>>
      tpu.enqueue_dma source(%dma_start3A_212 : memref<1x64xf32, #tpu.memory_space<hbm>>) target(%dma_start3A_210 : memref<1x64xf32, #tpu.memory_space<vmem>>) target_semaphore(%arg7 : memref<!tpu.dma_semaphore, #tpu.memory_space<semaphore_mem>>)
      %slice3A_213 = vector.extract_strided_slice %get3A_19 {offsets = [14], sizes = [1], strides = [1]} : vector<16xi32> to vector<1xi32>
      %squeeze3A_214 = vector.extract %slice3A_213[0] : i32 from vector<1xi32>
      %mul3A_215 = arith.constant 16 : i32
      %mul3A_216 = arith.muli %scan3A_14, %mul3A_215 : i32
      %add3A_217 = arith.constant 14 : i32
      %add3A_218 = arith.addi %mul3A_216, %add3A_217 : i32
      %dma_start3A_219 = arith.constant 0 : i32
      %dma_start3A_220 = tpu.memref_slice %arg6[%add3A_218, %dma_start3A_219] : memref<768x64xf32, #tpu.memory_space<vmem>> -> memref<1x64xf32, #tpu.memory_space<vmem>>
      %dma_start3A_221 = arith.constant 0 : i32
      %dma_start3A_222 = tpu.memref_slice %arg2[%squeeze3A_214, %dma_start3A_221] : memref<1000000x64xf32, #tpu.memory_space<hbm>> -> memref<1x64xf32, #tpu.memory_space<hbm>>
      %dma_start3A_223 = arith.constant 0 : i32
      %dma_start3A_224 = tpu.memref_slice %arg6[%add3A_218, %dma_start3A_223] : memref<768x64xf32, #tpu.memory_space<vmem>> -> memref<1x64xf32, #tpu.memory_space<vmem>>
      %dma_start3A_225 = arith.constant 0 : i32
      %dma_start3A_226 = tpu.memref_slice %arg2[%squeeze3A_214, %dma_start3A_225] : memref<1000000x64xf32, #tpu.memory_space<hbm>> -> memref<1x64xf32, #tpu.memory_space<hbm>>
      tpu.enqueue_dma source(%dma_start3A_226 : memref<1x64xf32, #tpu.memory_space<hbm>>) target(%dma_start3A_224 : memref<1x64xf32, #tpu.memory_space<vmem>>) target_semaphore(%arg7 : memref<!tpu.dma_semaphore, #tpu.memory_space<semaphore_mem>>)
      %slice3A_227 = vector.extract_strided_slice %get3A_19 {offsets = [15], sizes = [1], strides = [1]} : vector<16xi32> to vector<1xi32>
      %squeeze3A_228 = vector.extract %slice3A_227[0] : i32 from vector<1xi32>
      %mul3A_229 = arith.constant 16 : i32
      %mul3A_230 = arith.muli %scan3A_14, %mul3A_229 : i32
      %add3A_231 = arith.constant 15 : i32
      %add3A_232 = arith.addi %mul3A_230, %add3A_231 : i32
      %dma_start3A_233 = arith.constant 0 : i32
      %dma_start3A_234 = tpu.memref_slice %arg6[%add3A_232, %dma_start3A_233] : memref<768x64xf32, #tpu.memory_space<vmem>> -> memref<1x64xf32, #tpu.memory_space<vmem>>
      %dma_start3A_235 = arith.constant 0 : i32
      %dma_start3A_236 = tpu.memref_slice %arg2[%squeeze3A_228, %dma_start3A_235] : memref<1000000x64xf32, #tpu.memory_space<hbm>> -> memref<1x64xf32, #tpu.memory_space<hbm>>
      %dma_start3A_237 = arith.constant 0 : i32
      %dma_start3A_238 = tpu.memref_slice %arg6[%add3A_232, %dma_start3A_237] : memref<768x64xf32, #tpu.memory_space<vmem>> -> memref<1x64xf32, #tpu.memory_space<vmem>>
      %dma_start3A_239 = arith.constant 0 : i32
      %dma_start3A_240 = tpu.memref_slice %arg2[%squeeze3A_228, %dma_start3A_239] : memref<1000000x64xf32, #tpu.memory_space<hbm>> -> memref<1x64xf32, #tpu.memory_space<hbm>>
      tpu.enqueue_dma source(%dma_start3A_240 : memref<1x64xf32, #tpu.memory_space<hbm>>) target(%dma_start3A_238 : memref<1x64xf32, #tpu.memory_space<vmem>>) target_semaphore(%arg7 : memref<!tpu.dma_semaphore, #tpu.memory_space<semaphore_mem>>)
      %scan3A_241 = arith.constant 0 : i32
      scf.yield %scan3A_241 : i32
    }
    %scan3A_6 = arith.constant 48 : i32
    %dma_wait3A = arith.constant 0 : i32
    %dma_wait3A_7 = arith.constant 0 : i32
    %dma_wait3A_8 = tpu.memref_slice %arg2[%dma_wait3A, %dma_wait3A_7] : memref<1000000x64xf32, #tpu.memory_space<hbm>> -> memref<768x64xf32, #tpu.memory_space<hbm>>
    %dma_wait3A_9 = arith.constant 0 : i32
    %dma_wait3A_10 = arith.constant 0 : i32
    %dma_wait3A_11 = tpu.memref_slice %arg2[%dma_wait3A_9, %dma_wait3A_10] : memref<1000000x64xf32, #tpu.memory_space<hbm>> -> memref<768x64xf32, #tpu.memory_space<hbm>>
    tpu.wait_dma2 semaphore(%arg7 : memref<!tpu.dma_semaphore, #tpu.memory_space<semaphore_mem>>) src(%dma_wait3A_11 : memref<768x64xf32, #tpu.memory_space<hbm>>) dst(%arg6 : memref<768x64xf32, #tpu.memory_space<vmem>>)
    %mul3A_12 = arith.constant 768 : i32
    %mul3A_13 = arith.muli %add3A, %mul3A_12 : i32
    "tpu.region"() ({
      %run_scoped3A = tpu.sem_alloc : memref<!tpu.dma_semaphore, #tpu.memory_space<semaphore_mem>>
      %dma_start3A = arith.constant 0 : i32
      %dma_start3A_14 = tpu.memref_slice %arg4[%mul3A_13, %dma_start3A] : memref<24576x64xf32, #tpu.memory_space<hbm>> -> memref<768x64xf32, #tpu.memory_space<hbm>>
      %dma_start3A_15 = arith.constant 0 : i32
      %dma_start3A_16 = tpu.memref_slice %arg4[%mul3A_13, %dma_start3A_15] : memref<24576x64xf32, #tpu.memory_space<hbm>> -> memref<768x64xf32, #tpu.memory_space<hbm>>
      tpu.enqueue_dma source(%arg6 : memref<768x64xf32, #tpu.memory_space<vmem>>) target(%dma_start3A_16 : memref<768x64xf32, #tpu.memory_space<hbm>>) target_semaphore(%run_scoped3A : memref<!tpu.dma_semaphore, #tpu.memory_space<semaphore_mem>>)
      %dma_wait3A_17 = arith.constant 0 : i32
      %dma_wait3A_18 = tpu.memref_slice %arg4[%mul3A_13, %dma_wait3A_17] : memref<24576x64xf32, #tpu.memory_space<hbm>> -> memref<768x64xf32, #tpu.memory_space<hbm>>
      %dma_wait3A_19 = arith.constant 0 : i32
      %dma_wait3A_20 = tpu.memref_slice %arg4[%mul3A_13, %dma_wait3A_19] : memref<24576x64xf32, #tpu.memory_space<hbm>> -> memref<768x64xf32, #tpu.memory_space<hbm>>
      tpu.wait_dma2 semaphore(%run_scoped3A : memref<!tpu.dma_semaphore, #tpu.memory_space<semaphore_mem>>) src(%arg6 : memref<768x64xf32, #tpu.memory_space<vmem>>) dst(%dma_wait3A_20 : memref<768x64xf32, #tpu.memory_space<hbm>>)
      tpu.yield
    }) : () -> ()
    return
  }
}

module attributes {stable_mosaic.version = 14 : i64} {
  func.func @_tc_body(%arg0: i32, %arg1: memref<3x512x64xf32, #tpu.memory_space<vmem>>, %arg2: memref<512x3xf32, #tpu.memory_space<vmem>>, %arg3: memref<512x3xf32, #tpu.memory_space<vmem>>, %arg4: memref<512x3xf32, #tpu.memory_space<vmem>>, %arg5: memref<512x1xi32, #tpu.memory_space<vmem>>, %arg6: memref<64x4096xbf16, #tpu.memory_space<vmem>>, %arg7: memref<64x64xf32, #tpu.memory_space<vmem>>, %arg8: memref<3x64xf32, #tpu.memory_space<vmem>>, %arg9: memref<1x64xf32, #tpu.memory_space<vmem>>, %arg10: memref<1x1xf32, #tpu.memory_space<vmem>>) attributes {dimension_semantics = [#tpu.dimension_semantics<arbitrary>], iteration_bounds = array<i64: 16>, scalar_prefetch = 0 : i64, scratch_operands = 0 : i64, tpu.core_type = #tpu.core_type<tc>, window_params = [{transform_indices = @transform_0, window_bounds = array<i64: 3, 512, 64>}, {transform_indices = @transform_1, window_bounds = array<i64: 512, 3>}, {transform_indices = @transform_2, window_bounds = array<i64: 512, 3>}, {transform_indices = @transform_3, window_bounds = array<i64: 512, 3>}, {transform_indices = @transform_4, window_bounds = array<i64: 512, 1>}, {pipeline_mode = #tpu.pipeline_mode<synchronous>, transform_indices = @transform_5, window_bounds = array<i64: 64, 4096>}, {pipeline_mode = #tpu.pipeline_mode<synchronous>, transform_indices = @transform_6, window_bounds = array<i64: 64, 64>}, {pipeline_mode = #tpu.pipeline_mode<synchronous>, transform_indices = @transform_7, window_bounds = array<i64: 3, 64>}, {pipeline_mode = #tpu.pipeline_mode<synchronous>, transform_indices = @transform_8, window_bounds = array<i64: 1, 64>}, {pipeline_mode = #tpu.pipeline_mode<synchronous>, transform_indices = @transform_9, window_bounds = array<i64: 1, 1>}]} {
    %get3A = arith.constant 0 : index
    %get3A_0 = arith.constant 0 : index
    %get3A_1 = arith.constant 0 : index
    %get3A_2 = vector.load %arg1[%get3A, %get3A_0, %get3A_1] : memref<3x512x64xf32, #tpu.memory_space<vmem>>, vector<3x512x64xf32>
    %get3A_3 = arith.constant 0 : index
    %get3A_4 = arith.constant 0 : index
    %get3A_5 = vector.load %arg5[%get3A_3, %get3A_4] : memref<512x1xi32, #tpu.memory_space<vmem>>, vector<512x1xi32>
    %get3A_6 = arith.constant 0 : index
    %get3A_7 = arith.constant 0 : index
    %get3A_8 = vector.load %arg8[%get3A_6, %get3A_7] : memref<3x64xf32, #tpu.memory_space<vmem>>, vector<3x64xf32>
    %get3A_9 = arith.constant 0 : index
    %get3A_10 = arith.constant 0 : index
    %get3A_11 = vector.load %arg9[%get3A_9, %get3A_10] : memref<1x64xf32, #tpu.memory_space<vmem>>, vector<1x64xf32>
    %get3A_12 = arith.constant 0 : index
    %get3A_13 = arith.constant 0 : index
    %get3A_14 = vector.load %arg2[%get3A_12, %get3A_13] : memref<512x3xf32, #tpu.memory_space<vmem>>, vector<512x3xf32>
    %dot_general3A = arith.constant dense<0.000000e+00> : vector<512x64xf32>
    %dot_general3A_15 = tpu.matmul %get3A_14, %get3A_8, %dot_general3A {dimension_numbers = #tpu.dot_dimension_numbers<[1], [0], [0], [1], [0, 0, 1, 1], [], []>, transpose_lhs_hint = false} : vector<512x3xf32>, vector<3x64xf32>, vector<512x64xf32> -> vector<512x64xf32>
    %add3A = vector.broadcast %get3A_11 : vector<1x64xf32> to vector<512x64xf32>
    %add3A_16 = arith.addf %dot_general3A_15, %add3A : vector<512x64xf32>
    %slice3A = vector.extract_strided_slice %get3A_2 {offsets = [0, 0, 0], sizes = [1, 512, 64], strides = [1, 1, 1]} : vector<3x512x64xf32> to vector<1x512x64xf32>
    %squeeze3A = vector.shape_cast %slice3A : vector<1x512x64xf32> to vector<512x64xf32>
    %tanh3A = math.tanh %add3A_16 : vector<512x64xf32>
    %add3A_17 = arith.constant 1.000000e+00 : f32
    %add3A_18 = vector.broadcast %add3A_17 : f32 to vector<512x64xf32>
    %add3A_19 = arith.addf %add3A_18, %tanh3A : vector<512x64xf32>
    %mul3A = arith.mulf %squeeze3A, %add3A_19 : vector<512x64xf32>
    %get3A_20 = arith.constant 0 : index
    %get3A_21 = arith.constant 0 : index
    %get3A_22 = vector.load %arg3[%get3A_20, %get3A_21] : memref<512x3xf32, #tpu.memory_space<vmem>>, vector<512x3xf32>
    %dot_general3A_23 = arith.constant dense<0.000000e+00> : vector<512x64xf32>
    %dot_general3A_24 = tpu.matmul %get3A_22, %get3A_8, %dot_general3A_23 {dimension_numbers = #tpu.dot_dimension_numbers<[1], [0], [0], [1], [0, 0, 1, 1], [], []>, transpose_lhs_hint = false} : vector<512x3xf32>, vector<3x64xf32>, vector<512x64xf32> -> vector<512x64xf32>
    %add3A_25 = vector.broadcast %get3A_11 : vector<1x64xf32> to vector<512x64xf32>
    %add3A_26 = arith.addf %dot_general3A_24, %add3A_25 : vector<512x64xf32>
    %slice3A_27 = vector.extract_strided_slice %get3A_2 {offsets = [1, 0, 0], sizes = [1, 512, 64], strides = [1, 1, 1]} : vector<3x512x64xf32> to vector<1x512x64xf32>
    %squeeze3A_28 = vector.shape_cast %slice3A_27 : vector<1x512x64xf32> to vector<512x64xf32>
    %tanh3A_29 = math.tanh %add3A_26 : vector<512x64xf32>
    %add3A_30 = arith.constant 1.000000e+00 : f32
    %add3A_31 = vector.broadcast %add3A_30 : f32 to vector<512x64xf32>
    %add3A_32 = arith.addf %add3A_31, %tanh3A_29 : vector<512x64xf32>
    %mul3A_33 = arith.mulf %squeeze3A_28, %add3A_32 : vector<512x64xf32>
    %get3A_34 = arith.constant 0 : index
    %get3A_35 = arith.constant 0 : index
    %get3A_36 = vector.load %arg4[%get3A_34, %get3A_35] : memref<512x3xf32, #tpu.memory_space<vmem>>, vector<512x3xf32>
    %dot_general3A_37 = arith.constant dense<0.000000e+00> : vector<512x64xf32>
    %dot_general3A_38 = tpu.matmul %get3A_36, %get3A_8, %dot_general3A_37 {dimension_numbers = #tpu.dot_dimension_numbers<[1], [0], [0], [1], [0, 0, 1, 1], [], []>, transpose_lhs_hint = false} : vector<512x3xf32>, vector<3x64xf32>, vector<512x64xf32> -> vector<512x64xf32>
    %add3A_39 = vector.broadcast %get3A_11 : vector<1x64xf32> to vector<512x64xf32>
    %add3A_40 = arith.addf %dot_general3A_38, %add3A_39 : vector<512x64xf32>
    %slice3A_41 = vector.extract_strided_slice %get3A_2 {offsets = [2, 0, 0], sizes = [1, 512, 64], strides = [1, 1, 1]} : vector<3x512x64xf32> to vector<1x512x64xf32>
    %squeeze3A_42 = vector.shape_cast %slice3A_41 : vector<1x512x64xf32> to vector<512x64xf32>
    %tanh3A_43 = math.tanh %add3A_40 : vector<512x64xf32>
    %add3A_44 = arith.constant 1.000000e+00 : f32
    %add3A_45 = vector.broadcast %add3A_44 : f32 to vector<512x64xf32>
    %add3A_46 = arith.addf %add3A_45, %tanh3A_43 : vector<512x64xf32>
    %mul3A_47 = arith.mulf %squeeze3A_42, %add3A_46 : vector<512x64xf32>
    %concatenate3A = tpu.concatenate %mul3A, %mul3A_33, %mul3A_47 in 0 : vector<512x64xf32>, vector<512x64xf32>, vector<512x64xf32> -> vector<1536x64xf32>
    %concatenate3A_48 = tpu.concatenate %get3A_5, %get3A_5, %get3A_5 in 0 : vector<512x1xi32>, vector<512x1xi32>, vector<512x1xi32> -> vector<1536x1xi32>
    %iota3A = tpu.iota {dimensions = array<i32: 1>} : vector<1536x128xi32>
    %ge3A = arith.constant 64 : i32
    %ge3A_49 = vector.broadcast %ge3A : i32 to vector<1536x128xi32>
    %ge3A_50 = arith.cmpi sge, %iota3A, %ge3A_49 : vector<1536x128xi32>
    %convert_element_type3A = arith.extui %ge3A_50 : vector<1536x128xi1> to vector<1536x128xi32>
    %and3A = arith.constant 1 : i32
    %and3A_51 = vector.broadcast %and3A : i32 to vector<1536x1xi32>
    %and3A_52 = arith.andi %concatenate3A_48, %and3A_51 : vector<1536x1xi32>
    %eq3A = vector.broadcast %and3A_52 : vector<1536x1xi32> to vector<1536x128xi32>
    %eq3A_53 = arith.cmpi eq, %eq3A, %convert_element_type3A : vector<1536x128xi32>
    %convert_element_type3A_54 = arith.extui %eq3A_53 : vector<1536x128xi1> to vector<1536x128xi32>
    %convert_element_type3A_55 = arith.sitofp %convert_element_type3A_54 : vector<1536x128xi32> to vector<1536x128xf32>
    %shift_right_arithmetic3A = arith.constant 1 : i32
    %shift_right_arithmetic3A_56 = vector.broadcast %shift_right_arithmetic3A : i32 to vector<1536x1xi32>
    %shift_right_arithmetic3A_57 = arith.shrsi %concatenate3A_48, %shift_right_arithmetic3A_56 : vector<1536x1xi32>
    %get3A_58 = arith.constant 0 : index
    %get3A_59 = arith.constant 0 : index
    %get3A_60 = vector.load %arg6[%get3A_58, %get3A_59] : memref<64x4096xbf16, #tpu.memory_space<vmem>>, vector<64x4096xbf16>
    %convert_element_type3A_61 = arith.truncf %concatenate3A : vector<1536x64xf32> to vector<1536x64xbf16>
    %broadcast_in_dim3A = arith.constant 0.000000e+00 : f32
    %broadcast_in_dim3A_62 = vector.broadcast %broadcast_in_dim3A : f32 to vector<1536x128xf32>
    %slice3A_63 = vector.extract_strided_slice %get3A_60 {offsets = [0, 0], sizes = [64, 128], strides = [1, 1]} : vector<64x4096xbf16> to vector<64x128xbf16>
    %dot_general3A_64 = arith.constant dense<0.000000e+00> : vector<1536x128xf32>
    %dot_general3A_65 = tpu.matmul %convert_element_type3A_61, %slice3A_63, %dot_general3A_64 {dimension_numbers = #tpu.dot_dimension_numbers<[1], [0], [0], [1], [0, 0, 1, 1], [], []>, transpose_lhs_hint = false} : vector<1536x64xbf16>, vector<64x128xbf16>, vector<1536x128xf32> -> vector<1536x128xf32>
    %eq3A_66 = arith.constant 0 : i32
    %eq3A_67 = vector.broadcast %eq3A_66 : i32 to vector<1536x1xi32>
    %eq3A_68 = arith.cmpi eq, %shift_right_arithmetic3A_57, %eq3A_67 : vector<1536x1xi32>
    %jit3A = arith.constant 0.000000e+00 : f32
    %broadcast_in_dim3A_69 = vector.shape_cast %eq3A_68 : vector<1536x1xi1> to vector<1536x1xi1>
    %broadcast_in_dim3A_70 = vector.broadcast %broadcast_in_dim3A_69 : vector<1536x1xi1> to vector<1536x128xi1>
    %broadcast_in_dim3A_71 = vector.broadcast %jit3A : f32 to vector<1536x128xf32>
    %select_n3A = arith.select %broadcast_in_dim3A_70, %convert_element_type3A_55, %broadcast_in_dim3A_71 : vector<1536x128xi1>, vector<1536x128xf32>
    %mul3A_72 = arith.mulf %dot_general3A_65, %select_n3A : vector<1536x128xf32>
    %add3A_73 = arith.addf %broadcast_in_dim3A_62, %mul3A_72 : vector<1536x128xf32>
    %slice3A_74 = vector.extract_strided_slice %get3A_60 {offsets = [0, 128], sizes = [64, 128], strides = [1, 1]} : vector<64x4096xbf16> to vector<64x128xbf16>
    %dot_general3A_75 = arith.constant dense<0.000000e+00> : vector<1536x128xf32>
    %dot_general3A_76 = tpu.matmul %convert_element_type3A_61, %slice3A_74, %dot_general3A_75 {dimension_numbers = #tpu.dot_dimension_numbers<[1], [0], [0], [1], [0, 0, 1, 1], [], []>, transpose_lhs_hint = false} : vector<1536x64xbf16>, vector<64x128xbf16>, vector<1536x128xf32> -> vector<1536x128xf32>
    %eq3A_77 = arith.constant 1 : i32
    %eq3A_78 = vector.broadcast %eq3A_77 : i32 to vector<1536x1xi32>
    %eq3A_79 = arith.cmpi eq, %shift_right_arithmetic3A_57, %eq3A_78 : vector<1536x1xi32>
    %jit3A_80 = arith.constant 0.000000e+00 : f32
    %broadcast_in_dim3A_81 = vector.shape_cast %eq3A_79 : vector<1536x1xi1> to vector<1536x1xi1>
    %broadcast_in_dim3A_82 = vector.broadcast %broadcast_in_dim3A_81 : vector<1536x1xi1> to vector<1536x128xi1>
    %broadcast_in_dim3A_83 = vector.broadcast %jit3A_80 : f32 to vector<1536x128xf32>
    %select_n3A_84 = arith.select %broadcast_in_dim3A_82, %convert_element_type3A_55, %broadcast_in_dim3A_83 : vector<1536x128xi1>, vector<1536x128xf32>
    %mul3A_85 = arith.mulf %dot_general3A_76, %select_n3A_84 : vector<1536x128xf32>
    %add3A_86 = arith.addf %add3A_73, %mul3A_85 : vector<1536x128xf32>
    %slice3A_87 = vector.extract_strided_slice %get3A_60 {offsets = [0, 256], sizes = [64, 128], strides = [1, 1]} : vector<64x4096xbf16> to vector<64x128xbf16>
    %dot_general3A_88 = arith.constant dense<0.000000e+00> : vector<1536x128xf32>
    %dot_general3A_89 = tpu.matmul %convert_element_type3A_61, %slice3A_87, %dot_general3A_88 {dimension_numbers = #tpu.dot_dimension_numbers<[1], [0], [0], [1], [0, 0, 1, 1], [], []>, transpose_lhs_hint = false} : vector<1536x64xbf16>, vector<64x128xbf16>, vector<1536x128xf32> -> vector<1536x128xf32>
    %eq3A_90 = arith.constant 2 : i32
    %eq3A_91 = vector.broadcast %eq3A_90 : i32 to vector<1536x1xi32>
    %eq3A_92 = arith.cmpi eq, %shift_right_arithmetic3A_57, %eq3A_91 : vector<1536x1xi32>
    %jit3A_93 = arith.constant 0.000000e+00 : f32
    %broadcast_in_dim3A_94 = vector.shape_cast %eq3A_92 : vector<1536x1xi1> to vector<1536x1xi1>
    %broadcast_in_dim3A_95 = vector.broadcast %broadcast_in_dim3A_94 : vector<1536x1xi1> to vector<1536x128xi1>
    %broadcast_in_dim3A_96 = vector.broadcast %jit3A_93 : f32 to vector<1536x128xf32>
    %select_n3A_97 = arith.select %broadcast_in_dim3A_95, %convert_element_type3A_55, %broadcast_in_dim3A_96 : vector<1536x128xi1>, vector<1536x128xf32>
    %mul3A_98 = arith.mulf %dot_general3A_89, %select_n3A_97 : vector<1536x128xf32>
    %add3A_99 = arith.addf %add3A_86, %mul3A_98 : vector<1536x128xf32>
    %slice3A_100 = vector.extract_strided_slice %get3A_60 {offsets = [0, 384], sizes = [64, 128], strides = [1, 1]} : vector<64x4096xbf16> to vector<64x128xbf16>
    %dot_general3A_101 = arith.constant dense<0.000000e+00> : vector<1536x128xf32>
    %dot_general3A_102 = tpu.matmul %convert_element_type3A_61, %slice3A_100, %dot_general3A_101 {dimension_numbers = #tpu.dot_dimension_numbers<[1], [0], [0], [1], [0, 0, 1, 1], [], []>, transpose_lhs_hint = false} : vector<1536x64xbf16>, vector<64x128xbf16>, vector<1536x128xf32> -> vector<1536x128xf32>
    %eq3A_103 = arith.constant 3 : i32
    %eq3A_104 = vector.broadcast %eq3A_103 : i32 to vector<1536x1xi32>
    %eq3A_105 = arith.cmpi eq, %shift_right_arithmetic3A_57, %eq3A_104 : vector<1536x1xi32>
    %jit3A_106 = arith.constant 0.000000e+00 : f32
    %broadcast_in_dim3A_107 = vector.shape_cast %eq3A_105 : vector<1536x1xi1> to vector<1536x1xi1>
    %broadcast_in_dim3A_108 = vector.broadcast %broadcast_in_dim3A_107 : vector<1536x1xi1> to vector<1536x128xi1>
    %broadcast_in_dim3A_109 = vector.broadcast %jit3A_106 : f32 to vector<1536x128xf32>
    %select_n3A_110 = arith.select %broadcast_in_dim3A_108, %convert_element_type3A_55, %broadcast_in_dim3A_109 : vector<1536x128xi1>, vector<1536x128xf32>
    %mul3A_111 = arith.mulf %dot_general3A_102, %select_n3A_110 : vector<1536x128xf32>
    %add3A_112 = arith.addf %add3A_99, %mul3A_111 : vector<1536x128xf32>
    %slice3A_113 = vector.extract_strided_slice %get3A_60 {offsets = [0, 512], sizes = [64, 128], strides = [1, 1]} : vector<64x4096xbf16> to vector<64x128xbf16>
    %dot_general3A_114 = arith.constant dense<0.000000e+00> : vector<1536x128xf32>
    %dot_general3A_115 = tpu.matmul %convert_element_type3A_61, %slice3A_113, %dot_general3A_114 {dimension_numbers = #tpu.dot_dimension_numbers<[1], [0], [0], [1], [0, 0, 1, 1], [], []>, transpose_lhs_hint = false} : vector<1536x64xbf16>, vector<64x128xbf16>, vector<1536x128xf32> -> vector<1536x128xf32>
    %eq3A_116 = arith.constant 4 : i32
    %eq3A_117 = vector.broadcast %eq3A_116 : i32 to vector<1536x1xi32>
    %eq3A_118 = arith.cmpi eq, %shift_right_arithmetic3A_57, %eq3A_117 : vector<1536x1xi32>
    %jit3A_119 = arith.constant 0.000000e+00 : f32
    %broadcast_in_dim3A_120 = vector.shape_cast %eq3A_118 : vector<1536x1xi1> to vector<1536x1xi1>
    %broadcast_in_dim3A_121 = vector.broadcast %broadcast_in_dim3A_120 : vector<1536x1xi1> to vector<1536x128xi1>
    %broadcast_in_dim3A_122 = vector.broadcast %jit3A_119 : f32 to vector<1536x128xf32>
    %select_n3A_123 = arith.select %broadcast_in_dim3A_121, %convert_element_type3A_55, %broadcast_in_dim3A_122 : vector<1536x128xi1>, vector<1536x128xf32>
    %mul3A_124 = arith.mulf %dot_general3A_115, %select_n3A_123 : vector<1536x128xf32>
    %add3A_125 = arith.addf %add3A_112, %mul3A_124 : vector<1536x128xf32>
    %slice3A_126 = vector.extract_strided_slice %get3A_60 {offsets = [0, 640], sizes = [64, 128], strides = [1, 1]} : vector<64x4096xbf16> to vector<64x128xbf16>
    %dot_general3A_127 = arith.constant dense<0.000000e+00> : vector<1536x128xf32>
    %dot_general3A_128 = tpu.matmul %convert_element_type3A_61, %slice3A_126, %dot_general3A_127 {dimension_numbers = #tpu.dot_dimension_numbers<[1], [0], [0], [1], [0, 0, 1, 1], [], []>, transpose_lhs_hint = false} : vector<1536x64xbf16>, vector<64x128xbf16>, vector<1536x128xf32> -> vector<1536x128xf32>
    %eq3A_129 = arith.constant 5 : i32
    %eq3A_130 = vector.broadcast %eq3A_129 : i32 to vector<1536x1xi32>
    %eq3A_131 = arith.cmpi eq, %shift_right_arithmetic3A_57, %eq3A_130 : vector<1536x1xi32>
    %jit3A_132 = arith.constant 0.000000e+00 : f32
    %broadcast_in_dim3A_133 = vector.shape_cast %eq3A_131 : vector<1536x1xi1> to vector<1536x1xi1>
    %broadcast_in_dim3A_134 = vector.broadcast %broadcast_in_dim3A_133 : vector<1536x1xi1> to vector<1536x128xi1>
    %broadcast_in_dim3A_135 = vector.broadcast %jit3A_132 : f32 to vector<1536x128xf32>
    %select_n3A_136 = arith.select %broadcast_in_dim3A_134, %convert_element_type3A_55, %broadcast_in_dim3A_135 : vector<1536x128xi1>, vector<1536x128xf32>
    %mul3A_137 = arith.mulf %dot_general3A_128, %select_n3A_136 : vector<1536x128xf32>
    %add3A_138 = arith.addf %add3A_125, %mul3A_137 : vector<1536x128xf32>
    %slice3A_139 = vector.extract_strided_slice %get3A_60 {offsets = [0, 768], sizes = [64, 128], strides = [1, 1]} : vector<64x4096xbf16> to vector<64x128xbf16>
    %dot_general3A_140 = arith.constant dense<0.000000e+00> : vector<1536x128xf32>
    %dot_general3A_141 = tpu.matmul %convert_element_type3A_61, %slice3A_139, %dot_general3A_140 {dimension_numbers = #tpu.dot_dimension_numbers<[1], [0], [0], [1], [0, 0, 1, 1], [], []>, transpose_lhs_hint = false} : vector<1536x64xbf16>, vector<64x128xbf16>, vector<1536x128xf32> -> vector<1536x128xf32>
    %eq3A_142 = arith.constant 6 : i32
    %eq3A_143 = vector.broadcast %eq3A_142 : i32 to vector<1536x1xi32>
    %eq3A_144 = arith.cmpi eq, %shift_right_arithmetic3A_57, %eq3A_143 : vector<1536x1xi32>
    %jit3A_145 = arith.constant 0.000000e+00 : f32
    %broadcast_in_dim3A_146 = vector.shape_cast %eq3A_144 : vector<1536x1xi1> to vector<1536x1xi1>
    %broadcast_in_dim3A_147 = vector.broadcast %broadcast_in_dim3A_146 : vector<1536x1xi1> to vector<1536x128xi1>
    %broadcast_in_dim3A_148 = vector.broadcast %jit3A_145 : f32 to vector<1536x128xf32>
    %select_n3A_149 = arith.select %broadcast_in_dim3A_147, %convert_element_type3A_55, %broadcast_in_dim3A_148 : vector<1536x128xi1>, vector<1536x128xf32>
    %mul3A_150 = arith.mulf %dot_general3A_141, %select_n3A_149 : vector<1536x128xf32>
    %add3A_151 = arith.addf %add3A_138, %mul3A_150 : vector<1536x128xf32>
    %slice3A_152 = vector.extract_strided_slice %get3A_60 {offsets = [0, 896], sizes = [64, 128], strides = [1, 1]} : vector<64x4096xbf16> to vector<64x128xbf16>
    %dot_general3A_153 = arith.constant dense<0.000000e+00> : vector<1536x128xf32>
    %dot_general3A_154 = tpu.matmul %convert_element_type3A_61, %slice3A_152, %dot_general3A_153 {dimension_numbers = #tpu.dot_dimension_numbers<[1], [0], [0], [1], [0, 0, 1, 1], [], []>, transpose_lhs_hint = false} : vector<1536x64xbf16>, vector<64x128xbf16>, vector<1536x128xf32> -> vector<1536x128xf32>
    %eq3A_155 = arith.constant 7 : i32
    %eq3A_156 = vector.broadcast %eq3A_155 : i32 to vector<1536x1xi32>
    %eq3A_157 = arith.cmpi eq, %shift_right_arithmetic3A_57, %eq3A_156 : vector<1536x1xi32>
    %jit3A_158 = arith.constant 0.000000e+00 : f32
    %broadcast_in_dim3A_159 = vector.shape_cast %eq3A_157 : vector<1536x1xi1> to vector<1536x1xi1>
    %broadcast_in_dim3A_160 = vector.broadcast %broadcast_in_dim3A_159 : vector<1536x1xi1> to vector<1536x128xi1>
    %broadcast_in_dim3A_161 = vector.broadcast %jit3A_158 : f32 to vector<1536x128xf32>
    %select_n3A_162 = arith.select %broadcast_in_dim3A_160, %convert_element_type3A_55, %broadcast_in_dim3A_161 : vector<1536x128xi1>, vector<1536x128xf32>
    %mul3A_163 = arith.mulf %dot_general3A_154, %select_n3A_162 : vector<1536x128xf32>
    %add3A_164 = arith.addf %add3A_151, %mul3A_163 : vector<1536x128xf32>
    %slice3A_165 = vector.extract_strided_slice %get3A_60 {offsets = [0, 1024], sizes = [64, 128], strides = [1, 1]} : vector<64x4096xbf16> to vector<64x128xbf16>
    %dot_general3A_166 = arith.constant dense<0.000000e+00> : vector<1536x128xf32>
    %dot_general3A_167 = tpu.matmul %convert_element_type3A_61, %slice3A_165, %dot_general3A_166 {dimension_numbers = #tpu.dot_dimension_numbers<[1], [0], [0], [1], [0, 0, 1, 1], [], []>, transpose_lhs_hint = false} : vector<1536x64xbf16>, vector<64x128xbf16>, vector<1536x128xf32> -> vector<1536x128xf32>
    %eq3A_168 = arith.constant 8 : i32
    %eq3A_169 = vector.broadcast %eq3A_168 : i32 to vector<1536x1xi32>
    %eq3A_170 = arith.cmpi eq, %shift_right_arithmetic3A_57, %eq3A_169 : vector<1536x1xi32>
    %jit3A_171 = arith.constant 0.000000e+00 : f32
    %broadcast_in_dim3A_172 = vector.shape_cast %eq3A_170 : vector<1536x1xi1> to vector<1536x1xi1>
    %broadcast_in_dim3A_173 = vector.broadcast %broadcast_in_dim3A_172 : vector<1536x1xi1> to vector<1536x128xi1>
    %broadcast_in_dim3A_174 = vector.broadcast %jit3A_171 : f32 to vector<1536x128xf32>
    %select_n3A_175 = arith.select %broadcast_in_dim3A_173, %convert_element_type3A_55, %broadcast_in_dim3A_174 : vector<1536x128xi1>, vector<1536x128xf32>
    %mul3A_176 = arith.mulf %dot_general3A_167, %select_n3A_175 : vector<1536x128xf32>
    %add3A_177 = arith.addf %add3A_164, %mul3A_176 : vector<1536x128xf32>
    %slice3A_178 = vector.extract_strided_slice %get3A_60 {offsets = [0, 1152], sizes = [64, 128], strides = [1, 1]} : vector<64x4096xbf16> to vector<64x128xbf16>
    %dot_general3A_179 = arith.constant dense<0.000000e+00> : vector<1536x128xf32>
    %dot_general3A_180 = tpu.matmul %convert_element_type3A_61, %slice3A_178, %dot_general3A_179 {dimension_numbers = #tpu.dot_dimension_numbers<[1], [0], [0], [1], [0, 0, 1, 1], [], []>, transpose_lhs_hint = false} : vector<1536x64xbf16>, vector<64x128xbf16>, vector<1536x128xf32> -> vector<1536x128xf32>
    %eq3A_181 = arith.constant 9 : i32
    %eq3A_182 = vector.broadcast %eq3A_181 : i32 to vector<1536x1xi32>
    %eq3A_183 = arith.cmpi eq, %shift_right_arithmetic3A_57, %eq3A_182 : vector<1536x1xi32>
    %jit3A_184 = arith.constant 0.000000e+00 : f32
    %broadcast_in_dim3A_185 = vector.shape_cast %eq3A_183 : vector<1536x1xi1> to vector<1536x1xi1>
    %broadcast_in_dim3A_186 = vector.broadcast %broadcast_in_dim3A_185 : vector<1536x1xi1> to vector<1536x128xi1>
    %broadcast_in_dim3A_187 = vector.broadcast %jit3A_184 : f32 to vector<1536x128xf32>
    %select_n3A_188 = arith.select %broadcast_in_dim3A_186, %convert_element_type3A_55, %broadcast_in_dim3A_187 : vector<1536x128xi1>, vector<1536x128xf32>
    %mul3A_189 = arith.mulf %dot_general3A_180, %select_n3A_188 : vector<1536x128xf32>
    %add3A_190 = arith.addf %add3A_177, %mul3A_189 : vector<1536x128xf32>
    %slice3A_191 = vector.extract_strided_slice %get3A_60 {offsets = [0, 1280], sizes = [64, 128], strides = [1, 1]} : vector<64x4096xbf16> to vector<64x128xbf16>
    %dot_general3A_192 = arith.constant dense<0.000000e+00> : vector<1536x128xf32>
    %dot_general3A_193 = tpu.matmul %convert_element_type3A_61, %slice3A_191, %dot_general3A_192 {dimension_numbers = #tpu.dot_dimension_numbers<[1], [0], [0], [1], [0, 0, 1, 1], [], []>, transpose_lhs_hint = false} : vector<1536x64xbf16>, vector<64x128xbf16>, vector<1536x128xf32> -> vector<1536x128xf32>
    %eq3A_194 = arith.constant 10 : i32
    %eq3A_195 = vector.broadcast %eq3A_194 : i32 to vector<1536x1xi32>
    %eq3A_196 = arith.cmpi eq, %shift_right_arithmetic3A_57, %eq3A_195 : vector<1536x1xi32>
    %jit3A_197 = arith.constant 0.000000e+00 : f32
    %broadcast_in_dim3A_198 = vector.shape_cast %eq3A_196 : vector<1536x1xi1> to vector<1536x1xi1>
    %broadcast_in_dim3A_199 = vector.broadcast %broadcast_in_dim3A_198 : vector<1536x1xi1> to vector<1536x128xi1>
    %broadcast_in_dim3A_200 = vector.broadcast %jit3A_197 : f32 to vector<1536x128xf32>
    %select_n3A_201 = arith.select %broadcast_in_dim3A_199, %convert_element_type3A_55, %broadcast_in_dim3A_200 : vector<1536x128xi1>, vector<1536x128xf32>
    %mul3A_202 = arith.mulf %dot_general3A_193, %select_n3A_201 : vector<1536x128xf32>
    %add3A_203 = arith.addf %add3A_190, %mul3A_202 : vector<1536x128xf32>
    %slice3A_204 = vector.extract_strided_slice %get3A_60 {offsets = [0, 1408], sizes = [64, 128], strides = [1, 1]} : vector<64x4096xbf16> to vector<64x128xbf16>
    %dot_general3A_205 = arith.constant dense<0.000000e+00> : vector<1536x128xf32>
    %dot_general3A_206 = tpu.matmul %convert_element_type3A_61, %slice3A_204, %dot_general3A_205 {dimension_numbers = #tpu.dot_dimension_numbers<[1], [0], [0], [1], [0, 0, 1, 1], [], []>, transpose_lhs_hint = false} : vector<1536x64xbf16>, vector<64x128xbf16>, vector<1536x128xf32> -> vector<1536x128xf32>
    %eq3A_207 = arith.constant 11 : i32
    %eq3A_208 = vector.broadcast %eq3A_207 : i32 to vector<1536x1xi32>
    %eq3A_209 = arith.cmpi eq, %shift_right_arithmetic3A_57, %eq3A_208 : vector<1536x1xi32>
    %jit3A_210 = arith.constant 0.000000e+00 : f32
    %broadcast_in_dim3A_211 = vector.shape_cast %eq3A_209 : vector<1536x1xi1> to vector<1536x1xi1>
    %broadcast_in_dim3A_212 = vector.broadcast %broadcast_in_dim3A_211 : vector<1536x1xi1> to vector<1536x128xi1>
    %broadcast_in_dim3A_213 = vector.broadcast %jit3A_210 : f32 to vector<1536x128xf32>
    %select_n3A_214 = arith.select %broadcast_in_dim3A_212, %convert_element_type3A_55, %broadcast_in_dim3A_213 : vector<1536x128xi1>, vector<1536x128xf32>
    %mul3A_215 = arith.mulf %dot_general3A_206, %select_n3A_214 : vector<1536x128xf32>
    %add3A_216 = arith.addf %add3A_203, %mul3A_215 : vector<1536x128xf32>
    %slice3A_217 = vector.extract_strided_slice %get3A_60 {offsets = [0, 1536], sizes = [64, 128], strides = [1, 1]} : vector<64x4096xbf16> to vector<64x128xbf16>
    %dot_general3A_218 = arith.constant dense<0.000000e+00> : vector<1536x128xf32>
    %dot_general3A_219 = tpu.matmul %convert_element_type3A_61, %slice3A_217, %dot_general3A_218 {dimension_numbers = #tpu.dot_dimension_numbers<[1], [0], [0], [1], [0, 0, 1, 1], [], []>, transpose_lhs_hint = false} : vector<1536x64xbf16>, vector<64x128xbf16>, vector<1536x128xf32> -> vector<1536x128xf32>
    %eq3A_220 = arith.constant 12 : i32
    %eq3A_221 = vector.broadcast %eq3A_220 : i32 to vector<1536x1xi32>
    %eq3A_222 = arith.cmpi eq, %shift_right_arithmetic3A_57, %eq3A_221 : vector<1536x1xi32>
    %jit3A_223 = arith.constant 0.000000e+00 : f32
    %broadcast_in_dim3A_224 = vector.shape_cast %eq3A_222 : vector<1536x1xi1> to vector<1536x1xi1>
    %broadcast_in_dim3A_225 = vector.broadcast %broadcast_in_dim3A_224 : vector<1536x1xi1> to vector<1536x128xi1>
    %broadcast_in_dim3A_226 = vector.broadcast %jit3A_223 : f32 to vector<1536x128xf32>
    %select_n3A_227 = arith.select %broadcast_in_dim3A_225, %convert_element_type3A_55, %broadcast_in_dim3A_226 : vector<1536x128xi1>, vector<1536x128xf32>
    %mul3A_228 = arith.mulf %dot_general3A_219, %select_n3A_227 : vector<1536x128xf32>
    %add3A_229 = arith.addf %add3A_216, %mul3A_228 : vector<1536x128xf32>
    %slice3A_230 = vector.extract_strided_slice %get3A_60 {offsets = [0, 1664], sizes = [64, 128], strides = [1, 1]} : vector<64x4096xbf16> to vector<64x128xbf16>
    %dot_general3A_231 = arith.constant dense<0.000000e+00> : vector<1536x128xf32>
    %dot_general3A_232 = tpu.matmul %convert_element_type3A_61, %slice3A_230, %dot_general3A_231 {dimension_numbers = #tpu.dot_dimension_numbers<[1], [0], [0], [1], [0, 0, 1, 1], [], []>, transpose_lhs_hint = false} : vector<1536x64xbf16>, vector<64x128xbf16>, vector<1536x128xf32> -> vector<1536x128xf32>
    %eq3A_233 = arith.constant 13 : i32
    %eq3A_234 = vector.broadcast %eq3A_233 : i32 to vector<1536x1xi32>
    %eq3A_235 = arith.cmpi eq, %shift_right_arithmetic3A_57, %eq3A_234 : vector<1536x1xi32>
    %jit3A_236 = arith.constant 0.000000e+00 : f32
    %broadcast_in_dim3A_237 = vector.shape_cast %eq3A_235 : vector<1536x1xi1> to vector<1536x1xi1>
    %broadcast_in_dim3A_238 = vector.broadcast %broadcast_in_dim3A_237 : vector<1536x1xi1> to vector<1536x128xi1>
    %broadcast_in_dim3A_239 = vector.broadcast %jit3A_236 : f32 to vector<1536x128xf32>
    %select_n3A_240 = arith.select %broadcast_in_dim3A_238, %convert_element_type3A_55, %broadcast_in_dim3A_239 : vector<1536x128xi1>, vector<1536x128xf32>
    %mul3A_241 = arith.mulf %dot_general3A_232, %select_n3A_240 : vector<1536x128xf32>
    %add3A_242 = arith.addf %add3A_229, %mul3A_241 : vector<1536x128xf32>
    %slice3A_243 = vector.extract_strided_slice %get3A_60 {offsets = [0, 1792], sizes = [64, 128], strides = [1, 1]} : vector<64x4096xbf16> to vector<64x128xbf16>
    %dot_general3A_244 = arith.constant dense<0.000000e+00> : vector<1536x128xf32>
    %dot_general3A_245 = tpu.matmul %convert_element_type3A_61, %slice3A_243, %dot_general3A_244 {dimension_numbers = #tpu.dot_dimension_numbers<[1], [0], [0], [1], [0, 0, 1, 1], [], []>, transpose_lhs_hint = false} : vector<1536x64xbf16>, vector<64x128xbf16>, vector<1536x128xf32> -> vector<1536x128xf32>
    %eq3A_246 = arith.constant 14 : i32
    %eq3A_247 = vector.broadcast %eq3A_246 : i32 to vector<1536x1xi32>
    %eq3A_248 = arith.cmpi eq, %shift_right_arithmetic3A_57, %eq3A_247 : vector<1536x1xi32>
    %jit3A_249 = arith.constant 0.000000e+00 : f32
    %broadcast_in_dim3A_250 = vector.shape_cast %eq3A_248 : vector<1536x1xi1> to vector<1536x1xi1>
    %broadcast_in_dim3A_251 = vector.broadcast %broadcast_in_dim3A_250 : vector<1536x1xi1> to vector<1536x128xi1>
    %broadcast_in_dim3A_252 = vector.broadcast %jit3A_249 : f32 to vector<1536x128xf32>
    %select_n3A_253 = arith.select %broadcast_in_dim3A_251, %convert_element_type3A_55, %broadcast_in_dim3A_252 : vector<1536x128xi1>, vector<1536x128xf32>
    %mul3A_254 = arith.mulf %dot_general3A_245, %select_n3A_253 : vector<1536x128xf32>
    %add3A_255 = arith.addf %add3A_242, %mul3A_254 : vector<1536x128xf32>
    %slice3A_256 = vector.extract_strided_slice %get3A_60 {offsets = [0, 1920], sizes = [64, 128], strides = [1, 1]} : vector<64x4096xbf16> to vector<64x128xbf16>
    %dot_general3A_257 = arith.constant dense<0.000000e+00> : vector<1536x128xf32>
    %dot_general3A_258 = tpu.matmul %convert_element_type3A_61, %slice3A_256, %dot_general3A_257 {dimension_numbers = #tpu.dot_dimension_numbers<[1], [0], [0], [1], [0, 0, 1, 1], [], []>, transpose_lhs_hint = false} : vector<1536x64xbf16>, vector<64x128xbf16>, vector<1536x128xf32> -> vector<1536x128xf32>
    %eq3A_259 = arith.constant 15 : i32
    %eq3A_260 = vector.broadcast %eq3A_259 : i32 to vector<1536x1xi32>
    %eq3A_261 = arith.cmpi eq, %shift_right_arithmetic3A_57, %eq3A_260 : vector<1536x1xi32>
    %jit3A_262 = arith.constant 0.000000e+00 : f32
    %broadcast_in_dim3A_263 = vector.shape_cast %eq3A_261 : vector<1536x1xi1> to vector<1536x1xi1>
    %broadcast_in_dim3A_264 = vector.broadcast %broadcast_in_dim3A_263 : vector<1536x1xi1> to vector<1536x128xi1>
    %broadcast_in_dim3A_265 = vector.broadcast %jit3A_262 : f32 to vector<1536x128xf32>
    %select_n3A_266 = arith.select %broadcast_in_dim3A_264, %convert_element_type3A_55, %broadcast_in_dim3A_265 : vector<1536x128xi1>, vector<1536x128xf32>
    %mul3A_267 = arith.mulf %dot_general3A_258, %select_n3A_266 : vector<1536x128xf32>
    %add3A_268 = arith.addf %add3A_255, %mul3A_267 : vector<1536x128xf32>
    %slice3A_269 = vector.extract_strided_slice %get3A_60 {offsets = [0, 2048], sizes = [64, 128], strides = [1, 1]} : vector<64x4096xbf16> to vector<64x128xbf16>
    %dot_general3A_270 = arith.constant dense<0.000000e+00> : vector<1536x128xf32>
    %dot_general3A_271 = tpu.matmul %convert_element_type3A_61, %slice3A_269, %dot_general3A_270 {dimension_numbers = #tpu.dot_dimension_numbers<[1], [0], [0], [1], [0, 0, 1, 1], [], []>, transpose_lhs_hint = false} : vector<1536x64xbf16>, vector<64x128xbf16>, vector<1536x128xf32> -> vector<1536x128xf32>
    %eq3A_272 = arith.constant 16 : i32
    %eq3A_273 = vector.broadcast %eq3A_272 : i32 to vector<1536x1xi32>
    %eq3A_274 = arith.cmpi eq, %shift_right_arithmetic3A_57, %eq3A_273 : vector<1536x1xi32>
    %jit3A_275 = arith.constant 0.000000e+00 : f32
    %broadcast_in_dim3A_276 = vector.shape_cast %eq3A_274 : vector<1536x1xi1> to vector<1536x1xi1>
    %broadcast_in_dim3A_277 = vector.broadcast %broadcast_in_dim3A_276 : vector<1536x1xi1> to vector<1536x128xi1>
    %broadcast_in_dim3A_278 = vector.broadcast %jit3A_275 : f32 to vector<1536x128xf32>
    %select_n3A_279 = arith.select %broadcast_in_dim3A_277, %convert_element_type3A_55, %broadcast_in_dim3A_278 : vector<1536x128xi1>, vector<1536x128xf32>
    %mul3A_280 = arith.mulf %dot_general3A_271, %select_n3A_279 : vector<1536x128xf32>
    %add3A_281 = arith.addf %add3A_268, %mul3A_280 : vector<1536x128xf32>
    %slice3A_282 = vector.extract_strided_slice %get3A_60 {offsets = [0, 2176], sizes = [64, 128], strides = [1, 1]} : vector<64x4096xbf16> to vector<64x128xbf16>
    %dot_general3A_283 = arith.constant dense<0.000000e+00> : vector<1536x128xf32>
    %dot_general3A_284 = tpu.matmul %convert_element_type3A_61, %slice3A_282, %dot_general3A_283 {dimension_numbers = #tpu.dot_dimension_numbers<[1], [0], [0], [1], [0, 0, 1, 1], [], []>, transpose_lhs_hint = false} : vector<1536x64xbf16>, vector<64x128xbf16>, vector<1536x128xf32> -> vector<1536x128xf32>
    %eq3A_285 = arith.constant 17 : i32
    %eq3A_286 = vector.broadcast %eq3A_285 : i32 to vector<1536x1xi32>
    %eq3A_287 = arith.cmpi eq, %shift_right_arithmetic3A_57, %eq3A_286 : vector<1536x1xi32>
    %jit3A_288 = arith.constant 0.000000e+00 : f32
    %broadcast_in_dim3A_289 = vector.shape_cast %eq3A_287 : vector<1536x1xi1> to vector<1536x1xi1>
    %broadcast_in_dim3A_290 = vector.broadcast %broadcast_in_dim3A_289 : vector<1536x1xi1> to vector<1536x128xi1>
    %broadcast_in_dim3A_291 = vector.broadcast %jit3A_288 : f32 to vector<1536x128xf32>
    %select_n3A_292 = arith.select %broadcast_in_dim3A_290, %convert_element_type3A_55, %broadcast_in_dim3A_291 : vector<1536x128xi1>, vector<1536x128xf32>
    %mul3A_293 = arith.mulf %dot_general3A_284, %select_n3A_292 : vector<1536x128xf32>
    %add3A_294 = arith.addf %add3A_281, %mul3A_293 : vector<1536x128xf32>
    %slice3A_295 = vector.extract_strided_slice %get3A_60 {offsets = [0, 2304], sizes = [64, 128], strides = [1, 1]} : vector<64x4096xbf16> to vector<64x128xbf16>
    %dot_general3A_296 = arith.constant dense<0.000000e+00> : vector<1536x128xf32>
    %dot_general3A_297 = tpu.matmul %convert_element_type3A_61, %slice3A_295, %dot_general3A_296 {dimension_numbers = #tpu.dot_dimension_numbers<[1], [0], [0], [1], [0, 0, 1, 1], [], []>, transpose_lhs_hint = false} : vector<1536x64xbf16>, vector<64x128xbf16>, vector<1536x128xf32> -> vector<1536x128xf32>
    %eq3A_298 = arith.constant 18 : i32
    %eq3A_299 = vector.broadcast %eq3A_298 : i32 to vector<1536x1xi32>
    %eq3A_300 = arith.cmpi eq, %shift_right_arithmetic3A_57, %eq3A_299 : vector<1536x1xi32>
    %jit3A_301 = arith.constant 0.000000e+00 : f32
    %broadcast_in_dim3A_302 = vector.shape_cast %eq3A_300 : vector<1536x1xi1> to vector<1536x1xi1>
    %broadcast_in_dim3A_303 = vector.broadcast %broadcast_in_dim3A_302 : vector<1536x1xi1> to vector<1536x128xi1>
    %broadcast_in_dim3A_304 = vector.broadcast %jit3A_301 : f32 to vector<1536x128xf32>
    %select_n3A_305 = arith.select %broadcast_in_dim3A_303, %convert_element_type3A_55, %broadcast_in_dim3A_304 : vector<1536x128xi1>, vector<1536x128xf32>
    %mul3A_306 = arith.mulf %dot_general3A_297, %select_n3A_305 : vector<1536x128xf32>
    %add3A_307 = arith.addf %add3A_294, %mul3A_306 : vector<1536x128xf32>
    %slice3A_308 = vector.extract_strided_slice %get3A_60 {offsets = [0, 2432], sizes = [64, 128], strides = [1, 1]} : vector<64x4096xbf16> to vector<64x128xbf16>
    %dot_general3A_309 = arith.constant dense<0.000000e+00> : vector<1536x128xf32>
    %dot_general3A_310 = tpu.matmul %convert_element_type3A_61, %slice3A_308, %dot_general3A_309 {dimension_numbers = #tpu.dot_dimension_numbers<[1], [0], [0], [1], [0, 0, 1, 1], [], []>, transpose_lhs_hint = false} : vector<1536x64xbf16>, vector<64x128xbf16>, vector<1536x128xf32> -> vector<1536x128xf32>
    %eq3A_311 = arith.constant 19 : i32
    %eq3A_312 = vector.broadcast %eq3A_311 : i32 to vector<1536x1xi32>
    %eq3A_313 = arith.cmpi eq, %shift_right_arithmetic3A_57, %eq3A_312 : vector<1536x1xi32>
    %jit3A_314 = arith.constant 0.000000e+00 : f32
    %broadcast_in_dim3A_315 = vector.shape_cast %eq3A_313 : vector<1536x1xi1> to vector<1536x1xi1>
    %broadcast_in_dim3A_316 = vector.broadcast %broadcast_in_dim3A_315 : vector<1536x1xi1> to vector<1536x128xi1>
    %broadcast_in_dim3A_317 = vector.broadcast %jit3A_314 : f32 to vector<1536x128xf32>
    %select_n3A_318 = arith.select %broadcast_in_dim3A_316, %convert_element_type3A_55, %broadcast_in_dim3A_317 : vector<1536x128xi1>, vector<1536x128xf32>
    %mul3A_319 = arith.mulf %dot_general3A_310, %select_n3A_318 : vector<1536x128xf32>
    %add3A_320 = arith.addf %add3A_307, %mul3A_319 : vector<1536x128xf32>
    %slice3A_321 = vector.extract_strided_slice %get3A_60 {offsets = [0, 2560], sizes = [64, 128], strides = [1, 1]} : vector<64x4096xbf16> to vector<64x128xbf16>
    %dot_general3A_322 = arith.constant dense<0.000000e+00> : vector<1536x128xf32>
    %dot_general3A_323 = tpu.matmul %convert_element_type3A_61, %slice3A_321, %dot_general3A_322 {dimension_numbers = #tpu.dot_dimension_numbers<[1], [0], [0], [1], [0, 0, 1, 1], [], []>, transpose_lhs_hint = false} : vector<1536x64xbf16>, vector<64x128xbf16>, vector<1536x128xf32> -> vector<1536x128xf32>
    %eq3A_324 = arith.constant 20 : i32
    %eq3A_325 = vector.broadcast %eq3A_324 : i32 to vector<1536x1xi32>
    %eq3A_326 = arith.cmpi eq, %shift_right_arithmetic3A_57, %eq3A_325 : vector<1536x1xi32>
    %jit3A_327 = arith.constant 0.000000e+00 : f32
    %broadcast_in_dim3A_328 = vector.shape_cast %eq3A_326 : vector<1536x1xi1> to vector<1536x1xi1>
    %broadcast_in_dim3A_329 = vector.broadcast %broadcast_in_dim3A_328 : vector<1536x1xi1> to vector<1536x128xi1>
    %broadcast_in_dim3A_330 = vector.broadcast %jit3A_327 : f32 to vector<1536x128xf32>
    %select_n3A_331 = arith.select %broadcast_in_dim3A_329, %convert_element_type3A_55, %broadcast_in_dim3A_330 : vector<1536x128xi1>, vector<1536x128xf32>
    %mul3A_332 = arith.mulf %dot_general3A_323, %select_n3A_331 : vector<1536x128xf32>
    %add3A_333 = arith.addf %add3A_320, %mul3A_332 : vector<1536x128xf32>
    %slice3A_334 = vector.extract_strided_slice %get3A_60 {offsets = [0, 2688], sizes = [64, 128], strides = [1, 1]} : vector<64x4096xbf16> to vector<64x128xbf16>
    %dot_general3A_335 = arith.constant dense<0.000000e+00> : vector<1536x128xf32>
    %dot_general3A_336 = tpu.matmul %convert_element_type3A_61, %slice3A_334, %dot_general3A_335 {dimension_numbers = #tpu.dot_dimension_numbers<[1], [0], [0], [1], [0, 0, 1, 1], [], []>, transpose_lhs_hint = false} : vector<1536x64xbf16>, vector<64x128xbf16>, vector<1536x128xf32> -> vector<1536x128xf32>
    %eq3A_337 = arith.constant 21 : i32
    %eq3A_338 = vector.broadcast %eq3A_337 : i32 to vector<1536x1xi32>
    %eq3A_339 = arith.cmpi eq, %shift_right_arithmetic3A_57, %eq3A_338 : vector<1536x1xi32>
    %jit3A_340 = arith.constant 0.000000e+00 : f32
    %broadcast_in_dim3A_341 = vector.shape_cast %eq3A_339 : vector<1536x1xi1> to vector<1536x1xi1>
    %broadcast_in_dim3A_342 = vector.broadcast %broadcast_in_dim3A_341 : vector<1536x1xi1> to vector<1536x128xi1>
    %broadcast_in_dim3A_343 = vector.broadcast %jit3A_340 : f32 to vector<1536x128xf32>
    %select_n3A_344 = arith.select %broadcast_in_dim3A_342, %convert_element_type3A_55, %broadcast_in_dim3A_343 : vector<1536x128xi1>, vector<1536x128xf32>
    %mul3A_345 = arith.mulf %dot_general3A_336, %select_n3A_344 : vector<1536x128xf32>
    %add3A_346 = arith.addf %add3A_333, %mul3A_345 : vector<1536x128xf32>
    %slice3A_347 = vector.extract_strided_slice %get3A_60 {offsets = [0, 2816], sizes = [64, 128], strides = [1, 1]} : vector<64x4096xbf16> to vector<64x128xbf16>
    %dot_general3A_348 = arith.constant dense<0.000000e+00> : vector<1536x128xf32>
    %dot_general3A_349 = tpu.matmul %convert_element_type3A_61, %slice3A_347, %dot_general3A_348 {dimension_numbers = #tpu.dot_dimension_numbers<[1], [0], [0], [1], [0, 0, 1, 1], [], []>, transpose_lhs_hint = false} : vector<1536x64xbf16>, vector<64x128xbf16>, vector<1536x128xf32> -> vector<1536x128xf32>
    %eq3A_350 = arith.constant 22 : i32
    %eq3A_351 = vector.broadcast %eq3A_350 : i32 to vector<1536x1xi32>
    %eq3A_352 = arith.cmpi eq, %shift_right_arithmetic3A_57, %eq3A_351 : vector<1536x1xi32>
    %jit3A_353 = arith.constant 0.000000e+00 : f32
    %broadcast_in_dim3A_354 = vector.shape_cast %eq3A_352 : vector<1536x1xi1> to vector<1536x1xi1>
    %broadcast_in_dim3A_355 = vector.broadcast %broadcast_in_dim3A_354 : vector<1536x1xi1> to vector<1536x128xi1>
    %broadcast_in_dim3A_356 = vector.broadcast %jit3A_353 : f32 to vector<1536x128xf32>
    %select_n3A_357 = arith.select %broadcast_in_dim3A_355, %convert_element_type3A_55, %broadcast_in_dim3A_356 : vector<1536x128xi1>, vector<1536x128xf32>
    %mul3A_358 = arith.mulf %dot_general3A_349, %select_n3A_357 : vector<1536x128xf32>
    %add3A_359 = arith.addf %add3A_346, %mul3A_358 : vector<1536x128xf32>
    %slice3A_360 = vector.extract_strided_slice %get3A_60 {offsets = [0, 2944], sizes = [64, 128], strides = [1, 1]} : vector<64x4096xbf16> to vector<64x128xbf16>
    %dot_general3A_361 = arith.constant dense<0.000000e+00> : vector<1536x128xf32>
    %dot_general3A_362 = tpu.matmul %convert_element_type3A_61, %slice3A_360, %dot_general3A_361 {dimension_numbers = #tpu.dot_dimension_numbers<[1], [0], [0], [1], [0, 0, 1, 1], [], []>, transpose_lhs_hint = false} : vector<1536x64xbf16>, vector<64x128xbf16>, vector<1536x128xf32> -> vector<1536x128xf32>
    %eq3A_363 = arith.constant 23 : i32
    %eq3A_364 = vector.broadcast %eq3A_363 : i32 to vector<1536x1xi32>
    %eq3A_365 = arith.cmpi eq, %shift_right_arithmetic3A_57, %eq3A_364 : vector<1536x1xi32>
    %jit3A_366 = arith.constant 0.000000e+00 : f32
    %broadcast_in_dim3A_367 = vector.shape_cast %eq3A_365 : vector<1536x1xi1> to vector<1536x1xi1>
    %broadcast_in_dim3A_368 = vector.broadcast %broadcast_in_dim3A_367 : vector<1536x1xi1> to vector<1536x128xi1>
    %broadcast_in_dim3A_369 = vector.broadcast %jit3A_366 : f32 to vector<1536x128xf32>
    %select_n3A_370 = arith.select %broadcast_in_dim3A_368, %convert_element_type3A_55, %broadcast_in_dim3A_369 : vector<1536x128xi1>, vector<1536x128xf32>
    %mul3A_371 = arith.mulf %dot_general3A_362, %select_n3A_370 : vector<1536x128xf32>
    %add3A_372 = arith.addf %add3A_359, %mul3A_371 : vector<1536x128xf32>
    %slice3A_373 = vector.extract_strided_slice %get3A_60 {offsets = [0, 3072], sizes = [64, 128], strides = [1, 1]} : vector<64x4096xbf16> to vector<64x128xbf16>
    %dot_general3A_374 = arith.constant dense<0.000000e+00> : vector<1536x128xf32>
    %dot_general3A_375 = tpu.matmul %convert_element_type3A_61, %slice3A_373, %dot_general3A_374 {dimension_numbers = #tpu.dot_dimension_numbers<[1], [0], [0], [1], [0, 0, 1, 1], [], []>, transpose_lhs_hint = false} : vector<1536x64xbf16>, vector<64x128xbf16>, vector<1536x128xf32> -> vector<1536x128xf32>
    %eq3A_376 = arith.constant 24 : i32
    %eq3A_377 = vector.broadcast %eq3A_376 : i32 to vector<1536x1xi32>
    %eq3A_378 = arith.cmpi eq, %shift_right_arithmetic3A_57, %eq3A_377 : vector<1536x1xi32>
    %jit3A_379 = arith.constant 0.000000e+00 : f32
    %broadcast_in_dim3A_380 = vector.shape_cast %eq3A_378 : vector<1536x1xi1> to vector<1536x1xi1>
    %broadcast_in_dim3A_381 = vector.broadcast %broadcast_in_dim3A_380 : vector<1536x1xi1> to vector<1536x128xi1>
    %broadcast_in_dim3A_382 = vector.broadcast %jit3A_379 : f32 to vector<1536x128xf32>
    %select_n3A_383 = arith.select %broadcast_in_dim3A_381, %convert_element_type3A_55, %broadcast_in_dim3A_382 : vector<1536x128xi1>, vector<1536x128xf32>
    %mul3A_384 = arith.mulf %dot_general3A_375, %select_n3A_383 : vector<1536x128xf32>
    %add3A_385 = arith.addf %add3A_372, %mul3A_384 : vector<1536x128xf32>
    %slice3A_386 = vector.extract_strided_slice %get3A_60 {offsets = [0, 3200], sizes = [64, 128], strides = [1, 1]} : vector<64x4096xbf16> to vector<64x128xbf16>
    %dot_general3A_387 = arith.constant dense<0.000000e+00> : vector<1536x128xf32>
    %dot_general3A_388 = tpu.matmul %convert_element_type3A_61, %slice3A_386, %dot_general3A_387 {dimension_numbers = #tpu.dot_dimension_numbers<[1], [0], [0], [1], [0, 0, 1, 1], [], []>, transpose_lhs_hint = false} : vector<1536x64xbf16>, vector<64x128xbf16>, vector<1536x128xf32> -> vector<1536x128xf32>
    %eq3A_389 = arith.constant 25 : i32
    %eq3A_390 = vector.broadcast %eq3A_389 : i32 to vector<1536x1xi32>
    %eq3A_391 = arith.cmpi eq, %shift_right_arithmetic3A_57, %eq3A_390 : vector<1536x1xi32>
    %jit3A_392 = arith.constant 0.000000e+00 : f32
    %broadcast_in_dim3A_393 = vector.shape_cast %eq3A_391 : vector<1536x1xi1> to vector<1536x1xi1>
    %broadcast_in_dim3A_394 = vector.broadcast %broadcast_in_dim3A_393 : vector<1536x1xi1> to vector<1536x128xi1>
    %broadcast_in_dim3A_395 = vector.broadcast %jit3A_392 : f32 to vector<1536x128xf32>
    %select_n3A_396 = arith.select %broadcast_in_dim3A_394, %convert_element_type3A_55, %broadcast_in_dim3A_395 : vector<1536x128xi1>, vector<1536x128xf32>
    %mul3A_397 = arith.mulf %dot_general3A_388, %select_n3A_396 : vector<1536x128xf32>
    %add3A_398 = arith.addf %add3A_385, %mul3A_397 : vector<1536x128xf32>
    %slice3A_399 = vector.extract_strided_slice %get3A_60 {offsets = [0, 3328], sizes = [64, 128], strides = [1, 1]} : vector<64x4096xbf16> to vector<64x128xbf16>
    %dot_general3A_400 = arith.constant dense<0.000000e+00> : vector<1536x128xf32>
    %dot_general3A_401 = tpu.matmul %convert_element_type3A_61, %slice3A_399, %dot_general3A_400 {dimension_numbers = #tpu.dot_dimension_numbers<[1], [0], [0], [1], [0, 0, 1, 1], [], []>, transpose_lhs_hint = false} : vector<1536x64xbf16>, vector<64x128xbf16>, vector<1536x128xf32> -> vector<1536x128xf32>
    %eq3A_402 = arith.constant 26 : i32
    %eq3A_403 = vector.broadcast %eq3A_402 : i32 to vector<1536x1xi32>
    %eq3A_404 = arith.cmpi eq, %shift_right_arithmetic3A_57, %eq3A_403 : vector<1536x1xi32>
    %jit3A_405 = arith.constant 0.000000e+00 : f32
    %broadcast_in_dim3A_406 = vector.shape_cast %eq3A_404 : vector<1536x1xi1> to vector<1536x1xi1>
    %broadcast_in_dim3A_407 = vector.broadcast %broadcast_in_dim3A_406 : vector<1536x1xi1> to vector<1536x128xi1>
    %broadcast_in_dim3A_408 = vector.broadcast %jit3A_405 : f32 to vector<1536x128xf32>
    %select_n3A_409 = arith.select %broadcast_in_dim3A_407, %convert_element_type3A_55, %broadcast_in_dim3A_408 : vector<1536x128xi1>, vector<1536x128xf32>
    %mul3A_410 = arith.mulf %dot_general3A_401, %select_n3A_409 : vector<1536x128xf32>
    %add3A_411 = arith.addf %add3A_398, %mul3A_410 : vector<1536x128xf32>
    %slice3A_412 = vector.extract_strided_slice %get3A_60 {offsets = [0, 3456], sizes = [64, 128], strides = [1, 1]} : vector<64x4096xbf16> to vector<64x128xbf16>
    %dot_general3A_413 = arith.constant dense<0.000000e+00> : vector<1536x128xf32>
    %dot_general3A_414 = tpu.matmul %convert_element_type3A_61, %slice3A_412, %dot_general3A_413 {dimension_numbers = #tpu.dot_dimension_numbers<[1], [0], [0], [1], [0, 0, 1, 1], [], []>, transpose_lhs_hint = false} : vector<1536x64xbf16>, vector<64x128xbf16>, vector<1536x128xf32> -> vector<1536x128xf32>
    %eq3A_415 = arith.constant 27 : i32
    %eq3A_416 = vector.broadcast %eq3A_415 : i32 to vector<1536x1xi32>
    %eq3A_417 = arith.cmpi eq, %shift_right_arithmetic3A_57, %eq3A_416 : vector<1536x1xi32>
    %jit3A_418 = arith.constant 0.000000e+00 : f32
    %broadcast_in_dim3A_419 = vector.shape_cast %eq3A_417 : vector<1536x1xi1> to vector<1536x1xi1>
    %broadcast_in_dim3A_420 = vector.broadcast %broadcast_in_dim3A_419 : vector<1536x1xi1> to vector<1536x128xi1>
    %broadcast_in_dim3A_421 = vector.broadcast %jit3A_418 : f32 to vector<1536x128xf32>
    %select_n3A_422 = arith.select %broadcast_in_dim3A_420, %convert_element_type3A_55, %broadcast_in_dim3A_421 : vector<1536x128xi1>, vector<1536x128xf32>
    %mul3A_423 = arith.mulf %dot_general3A_414, %select_n3A_422 : vector<1536x128xf32>
    %add3A_424 = arith.addf %add3A_411, %mul3A_423 : vector<1536x128xf32>
    %slice3A_425 = vector.extract_strided_slice %get3A_60 {offsets = [0, 3584], sizes = [64, 128], strides = [1, 1]} : vector<64x4096xbf16> to vector<64x128xbf16>
    %dot_general3A_426 = arith.constant dense<0.000000e+00> : vector<1536x128xf32>
    %dot_general3A_427 = tpu.matmul %convert_element_type3A_61, %slice3A_425, %dot_general3A_426 {dimension_numbers = #tpu.dot_dimension_numbers<[1], [0], [0], [1], [0, 0, 1, 1], [], []>, transpose_lhs_hint = false} : vector<1536x64xbf16>, vector<64x128xbf16>, vector<1536x128xf32> -> vector<1536x128xf32>
    %eq3A_428 = arith.constant 28 : i32
    %eq3A_429 = vector.broadcast %eq3A_428 : i32 to vector<1536x1xi32>
    %eq3A_430 = arith.cmpi eq, %shift_right_arithmetic3A_57, %eq3A_429 : vector<1536x1xi32>
    %jit3A_431 = arith.constant 0.000000e+00 : f32
    %broadcast_in_dim3A_432 = vector.shape_cast %eq3A_430 : vector<1536x1xi1> to vector<1536x1xi1>
    %broadcast_in_dim3A_433 = vector.broadcast %broadcast_in_dim3A_432 : vector<1536x1xi1> to vector<1536x128xi1>
    %broadcast_in_dim3A_434 = vector.broadcast %jit3A_431 : f32 to vector<1536x128xf32>
    %select_n3A_435 = arith.select %broadcast_in_dim3A_433, %convert_element_type3A_55, %broadcast_in_dim3A_434 : vector<1536x128xi1>, vector<1536x128xf32>
    %mul3A_436 = arith.mulf %dot_general3A_427, %select_n3A_435 : vector<1536x128xf32>
    %add3A_437 = arith.addf %add3A_424, %mul3A_436 : vector<1536x128xf32>
    %slice3A_438 = vector.extract_strided_slice %get3A_60 {offsets = [0, 3712], sizes = [64, 128], strides = [1, 1]} : vector<64x4096xbf16> to vector<64x128xbf16>
    %dot_general3A_439 = arith.constant dense<0.000000e+00> : vector<1536x128xf32>
    %dot_general3A_440 = tpu.matmul %convert_element_type3A_61, %slice3A_438, %dot_general3A_439 {dimension_numbers = #tpu.dot_dimension_numbers<[1], [0], [0], [1], [0, 0, 1, 1], [], []>, transpose_lhs_hint = false} : vector<1536x64xbf16>, vector<64x128xbf16>, vector<1536x128xf32> -> vector<1536x128xf32>
    %eq3A_441 = arith.constant 29 : i32
    %eq3A_442 = vector.broadcast %eq3A_441 : i32 to vector<1536x1xi32>
    %eq3A_443 = arith.cmpi eq, %shift_right_arithmetic3A_57, %eq3A_442 : vector<1536x1xi32>
    %jit3A_444 = arith.constant 0.000000e+00 : f32
    %broadcast_in_dim3A_445 = vector.shape_cast %eq3A_443 : vector<1536x1xi1> to vector<1536x1xi1>
    %broadcast_in_dim3A_446 = vector.broadcast %broadcast_in_dim3A_445 : vector<1536x1xi1> to vector<1536x128xi1>
    %broadcast_in_dim3A_447 = vector.broadcast %jit3A_444 : f32 to vector<1536x128xf32>
    %select_n3A_448 = arith.select %broadcast_in_dim3A_446, %convert_element_type3A_55, %broadcast_in_dim3A_447 : vector<1536x128xi1>, vector<1536x128xf32>
    %mul3A_449 = arith.mulf %dot_general3A_440, %select_n3A_448 : vector<1536x128xf32>
    %add3A_450 = arith.addf %add3A_437, %mul3A_449 : vector<1536x128xf32>
    %slice3A_451 = vector.extract_strided_slice %get3A_60 {offsets = [0, 3840], sizes = [64, 128], strides = [1, 1]} : vector<64x4096xbf16> to vector<64x128xbf16>
    %dot_general3A_452 = arith.constant dense<0.000000e+00> : vector<1536x128xf32>
    %dot_general3A_453 = tpu.matmul %convert_element_type3A_61, %slice3A_451, %dot_general3A_452 {dimension_numbers = #tpu.dot_dimension_numbers<[1], [0], [0], [1], [0, 0, 1, 1], [], []>, transpose_lhs_hint = false} : vector<1536x64xbf16>, vector<64x128xbf16>, vector<1536x128xf32> -> vector<1536x128xf32>
    %eq3A_454 = arith.constant 30 : i32
    %eq3A_455 = vector.broadcast %eq3A_454 : i32 to vector<1536x1xi32>
    %eq3A_456 = arith.cmpi eq, %shift_right_arithmetic3A_57, %eq3A_455 : vector<1536x1xi32>
    %jit3A_457 = arith.constant 0.000000e+00 : f32
    %broadcast_in_dim3A_458 = vector.shape_cast %eq3A_456 : vector<1536x1xi1> to vector<1536x1xi1>
    %broadcast_in_dim3A_459 = vector.broadcast %broadcast_in_dim3A_458 : vector<1536x1xi1> to vector<1536x128xi1>
    %broadcast_in_dim3A_460 = vector.broadcast %jit3A_457 : f32 to vector<1536x128xf32>
    %select_n3A_461 = arith.select %broadcast_in_dim3A_459, %convert_element_type3A_55, %broadcast_in_dim3A_460 : vector<1536x128xi1>, vector<1536x128xf32>
    %mul3A_462 = arith.mulf %dot_general3A_453, %select_n3A_461 : vector<1536x128xf32>
    %add3A_463 = arith.addf %add3A_450, %mul3A_462 : vector<1536x128xf32>
    %slice3A_464 = vector.extract_strided_slice %get3A_60 {offsets = [0, 3968], sizes = [64, 128], strides = [1, 1]} : vector<64x4096xbf16> to vector<64x128xbf16>
    %dot_general3A_465 = arith.constant dense<0.000000e+00> : vector<1536x128xf32>
    %dot_general3A_466 = tpu.matmul %convert_element_type3A_61, %slice3A_464, %dot_general3A_465 {dimension_numbers = #tpu.dot_dimension_numbers<[1], [0], [0], [1], [0, 0, 1, 1], [], []>, transpose_lhs_hint = false} : vector<1536x64xbf16>, vector<64x128xbf16>, vector<1536x128xf32> -> vector<1536x128xf32>
    %eq3A_467 = arith.constant 31 : i32
    %eq3A_468 = vector.broadcast %eq3A_467 : i32 to vector<1536x1xi32>
    %eq3A_469 = arith.cmpi eq, %shift_right_arithmetic3A_57, %eq3A_468 : vector<1536x1xi32>
    %jit3A_470 = arith.constant 0.000000e+00 : f32
    %broadcast_in_dim3A_471 = vector.shape_cast %eq3A_469 : vector<1536x1xi1> to vector<1536x1xi1>
    %broadcast_in_dim3A_472 = vector.broadcast %broadcast_in_dim3A_471 : vector<1536x1xi1> to vector<1536x128xi1>
    %broadcast_in_dim3A_473 = vector.broadcast %jit3A_470 : f32 to vector<1536x128xf32>
    %select_n3A_474 = arith.select %broadcast_in_dim3A_472, %convert_element_type3A_55, %broadcast_in_dim3A_473 : vector<1536x128xi1>, vector<1536x128xf32>
    %mul3A_475 = arith.mulf %dot_general3A_466, %select_n3A_474 : vector<1536x128xf32>
    %add3A_476 = arith.addf %add3A_463, %mul3A_475 : vector<1536x128xf32>
    %slice3A_477 = vector.extract_strided_slice %add3A_476 {offsets = [0, 0], sizes = [1536, 64], strides = [1, 1]} : vector<1536x128xf32> to vector<1536x64xf32>
    %slice3A_478 = vector.extract_strided_slice %add3A_476 {offsets = [0, 64], sizes = [1536, 64], strides = [1, 1]} : vector<1536x128xf32> to vector<1536x64xf32>
    %add3A_479 = arith.addf %slice3A_477, %slice3A_478 : vector<1536x64xf32>
    %slice3A_480 = vector.extract_strided_slice %add3A_479 {offsets = [0, 0], sizes = [512, 64], strides = [1, 1]} : vector<1536x64xf32> to vector<512x64xf32>
    %slice3A_481 = vector.extract_strided_slice %add3A_479 {offsets = [512, 0], sizes = [512, 64], strides = [1, 1]} : vector<1536x64xf32> to vector<512x64xf32>
    %slice3A_482 = vector.extract_strided_slice %add3A_479 {offsets = [1024, 0], sizes = [512, 64], strides = [1, 1]} : vector<1536x64xf32> to vector<512x64xf32>
    %iota3A_483 = tpu.iota {dimensions = array<i32: 1>} : vector<512x64xi32>
    %eq3A_484 = vector.broadcast %get3A_5 : vector<512x1xi32> to vector<512x64xi32>
    %eq3A_485 = arith.cmpi eq, %iota3A_483, %eq3A_484 : vector<512x64xi32>
    %convert_element_type3A_486 = arith.extui %eq3A_485 : vector<512x64xi1> to vector<512x64xi32>
    %convert_element_type3A_487 = arith.sitofp %convert_element_type3A_486 : vector<512x64xi32> to vector<512x64xf32>
    %get3A_488 = arith.constant 0 : index
    %get3A_489 = arith.constant 0 : index
    %get3A_490 = vector.load %arg7[%get3A_488, %get3A_489] : memref<64x64xf32, #tpu.memory_space<vmem>>, vector<64x64xf32>
    %dot_general3A_491 = arith.constant dense<0.000000e+00> : vector<512x64xf32>
    %dot_general3A_492 = tpu.matmul %convert_element_type3A_487, %get3A_490, %dot_general3A_491 {dimension_numbers = #tpu.dot_dimension_numbers<[1], [0], [0], [1], [0, 0, 1, 1], [], []>, transpose_lhs_hint = false} : vector<512x64xf32>, vector<64x64xf32>, vector<512x64xf32> -> vector<512x64xf32>
    %add3A_493 = arith.addf %slice3A_480, %dot_general3A_492 : vector<512x64xf32>
    %sub3A = arith.subf %add3A_493, %slice3A_481 : vector<512x64xf32>
    %add3A_494 = arith.addf %slice3A_480, %dot_general3A_492 : vector<512x64xf32>
    %sub3A_495 = arith.subf %add3A_494, %slice3A_482 : vector<512x64xf32>
    %mul3A_496 = arith.mulf %sub3A, %sub3A : vector<512x64xf32>
    %reduce_sum3A = arith.constant dense<0.000000e+00> : vector<512xf32>
    %reduce_sum3A_497 = vector.multi_reduction <add>, %mul3A_496, %reduce_sum3A [1] : vector<512x64xf32> to vector<512xf32>
    %broadcast_in_dim3A_498 = vector.shape_cast %reduce_sum3A_497 : vector<512xf32> to vector<512x1xf32>
    %mul3A_499 = arith.mulf %sub3A_495, %sub3A_495 : vector<512x64xf32>
    %reduce_sum3A_500 = arith.constant dense<0.000000e+00> : vector<512xf32>
    %reduce_sum3A_501 = vector.multi_reduction <add>, %mul3A_499, %reduce_sum3A_500 [1] : vector<512x64xf32> to vector<512xf32>
    %broadcast_in_dim3A_502 = vector.shape_cast %reduce_sum3A_501 : vector<512xf32> to vector<512x1xf32>
    %sub3A_503 = arith.subf %broadcast_in_dim3A_502, %broadcast_in_dim3A_498 : vector<512x1xf32>
    %neg3A = arith.constant 0.000000e+00 : f32
    %neg3A_504 = vector.broadcast %neg3A : f32 to vector<512x1xf32>
    %neg3A_505 = arith.subf %neg3A_504, %sub3A_503 : vector<512x1xf32>
    %max3A = arith.constant 0.000000e+00 : f32
    %max3A_506 = vector.broadcast %max3A : f32 to vector<512x1xf32>
    %max3A_507 = arith.maximumf %neg3A_505, %max3A_506 : vector<512x1xf32>
    %abs3A = math.absf %sub3A_503 : vector<512x1xf32>
    %neg3A_508 = arith.constant 0.000000e+00 : f32
    %neg3A_509 = vector.broadcast %neg3A_508 : f32 to vector<512x1xf32>
    %neg3A_510 = arith.subf %neg3A_509, %abs3A : vector<512x1xf32>
    %exp3A = math.exp %neg3A_510 : vector<512x1xf32>
    %add3A_511 = arith.constant 1.000000e+00 : f32
    %add3A_512 = vector.broadcast %add3A_511 : f32 to vector<512x1xf32>
    %add3A_513 = arith.addf %add3A_512, %exp3A : vector<512x1xf32>
    %log3A = math.log %add3A_513 : vector<512x1xf32>
    %add3A_514 = arith.addf %max3A_507, %log3A : vector<512x1xf32>
    %reduce_sum3A_515 = vector.shape_cast %add3A_514 : vector<512x1xf32> to vector<1x512x1xf32>
    %reduce_sum3A_516 = arith.constant dense<0.000000e+00> : vector<1xf32>
    %reduce_sum3A_517 = vector.multi_reduction <add>, %reduce_sum3A_515, %reduce_sum3A_516 [1, 2] : vector<1x512x1xf32> to vector<1xf32>
    %reduce_sum3A_518 = vector.shape_cast %reduce_sum3A_517 : vector<1xf32> to vector<1x1x1xf32>
    %reduce_sum3A_519 = vector.extract %reduce_sum3A_518[0, 0, 0] : f32 from vector<1x1x1xf32>
    %mul3A_520 = arith.mulf %slice3A_480, %slice3A_480 : vector<512x64xf32>
    %reduce_sum3A_521 = vector.shape_cast %mul3A_520 : vector<512x64xf32> to vector<1x512x64xf32>
    %reduce_sum3A_522 = arith.constant dense<0.000000e+00> : vector<1xf32>
    %reduce_sum3A_523 = vector.multi_reduction <add>, %reduce_sum3A_521, %reduce_sum3A_522 [1, 2] : vector<1x512x64xf32> to vector<1xf32>
    %reduce_sum3A_524 = vector.shape_cast %reduce_sum3A_523 : vector<1xf32> to vector<1x1x1xf32>
    %reduce_sum3A_525 = vector.extract %reduce_sum3A_524[0, 0, 0] : f32 from vector<1x1x1xf32>
    %mul3A_526 = arith.mulf %dot_general3A_492, %dot_general3A_492 : vector<512x64xf32>
    %reduce_sum3A_527 = vector.shape_cast %mul3A_526 : vector<512x64xf32> to vector<1x512x64xf32>
    %reduce_sum3A_528 = arith.constant dense<0.000000e+00> : vector<1xf32>
    %reduce_sum3A_529 = vector.multi_reduction <add>, %reduce_sum3A_527, %reduce_sum3A_528 [1, 2] : vector<1x512x64xf32> to vector<1xf32>
    %reduce_sum3A_530 = vector.shape_cast %reduce_sum3A_529 : vector<1xf32> to vector<1x1x1xf32>
    %reduce_sum3A_531 = vector.extract %reduce_sum3A_530[0, 0, 0] : f32 from vector<1x1x1xf32>
    %add3A_532 = arith.addf %reduce_sum3A_525, %reduce_sum3A_531 : f32
    %mul3A_533 = arith.mulf %slice3A_481, %slice3A_481 : vector<512x64xf32>
    %reduce_sum3A_534 = vector.shape_cast %mul3A_533 : vector<512x64xf32> to vector<1x512x64xf32>
    %reduce_sum3A_535 = arith.constant dense<0.000000e+00> : vector<1xf32>
    %reduce_sum3A_536 = vector.multi_reduction <add>, %reduce_sum3A_534, %reduce_sum3A_535 [1, 2] : vector<1x512x64xf32> to vector<1xf32>
    %reduce_sum3A_537 = vector.shape_cast %reduce_sum3A_536 : vector<1xf32> to vector<1x1x1xf32>
    %reduce_sum3A_538 = vector.extract %reduce_sum3A_537[0, 0, 0] : f32 from vector<1x1x1xf32>
    %add3A_539 = arith.addf %add3A_532, %reduce_sum3A_538 : f32
    %mul3A_540 = arith.mulf %slice3A_482, %slice3A_482 : vector<512x64xf32>
    %reduce_sum3A_541 = vector.shape_cast %mul3A_540 : vector<512x64xf32> to vector<1x512x64xf32>
    %reduce_sum3A_542 = arith.constant dense<0.000000e+00> : vector<1xf32>
    %reduce_sum3A_543 = vector.multi_reduction <add>, %reduce_sum3A_541, %reduce_sum3A_542 [1, 2] : vector<1x512x64xf32> to vector<1xf32>
    %reduce_sum3A_544 = vector.shape_cast %reduce_sum3A_543 : vector<1xf32> to vector<1x1x1xf32>
    %reduce_sum3A_545 = vector.extract %reduce_sum3A_544[0, 0, 0] : f32 from vector<1x1x1xf32>
    %add3A_546 = arith.addf %add3A_539, %reduce_sum3A_545 : f32
    %mul3A_547 = arith.constant 5.000000e-01 : f32
    %mul3A_548 = arith.mulf %mul3A_547, %add3A_546 : f32
    %mul3A_549 = arith.constant 9.99999974E-6 : f32
    %mul3A_550 = arith.mulf %mul3A_549, %mul3A_548 : f32
    %add3A_551 = arith.addf %reduce_sum3A_519, %mul3A_550 : f32
    %eq3A_552 = arith.constant 0 : i32
    %eq3A_553 = arith.cmpi eq, %arg0, %eq3A_552 : i32
    %get3A_554 = arith.constant 0 : index
    %get3A_555 = arith.constant 0 : index
    %get3A_556 = vector.load %arg10[%get3A_554, %get3A_555] : memref<1x1xf32, #tpu.memory_space<vmem>>, vector<1x1xf32>
    %jit3A_557 = arith.constant 0.000000e+00 : f32
    %broadcast_in_dim3A_558 = vector.broadcast %jit3A_557 : f32 to vector<1x1xf32>
    %select_n3A_559 = arith.select %eq3A_553, %broadcast_in_dim3A_558, %get3A_556 : vector<1x1xf32>
    %add3A_560 = vector.broadcast %add3A_551 : f32 to vector<1x1xf32>
    %add3A_561 = arith.addf %select_n3A_559, %add3A_560 : vector<1x1xf32>
    %swap3A = arith.constant 0 : index
    %swap3A_562 = arith.constant 0 : index
    %swap3A_563 = vector.load %arg10[%swap3A, %swap3A_562] : memref<1x1xf32, #tpu.memory_space<vmem>>, vector<1x1xf32>
    tpu.vector_store %arg10[%swap3A, %swap3A_562], %add3A_561 {strides = array<i32>} : memref<1x1xf32, #tpu.memory_space<vmem>>, vector<1x1xf32>,
    return
  }
  func.func @transform_0(%arg0: i32) -> (i32, i32, i32) {
    %c0_i32 = arith.constant 0 : i32
    %c0_i32_0 = arith.constant 0 : i32
    %c0_i32_1 = arith.constant 0 : i32
    return %c0_i32, %arg0, %c0_i32_0 : i32, i32, i32
  }
  func.func @transform_1(%arg0: i32) -> (i32, i32) {
    %c0_i32 = arith.constant 0 : i32
    %c0_i32_0 = arith.constant 0 : i32
    return %arg0, %c0_i32 : i32, i32
  }
  func.func @transform_2(%arg0: i32) -> (i32, i32) {
    %c0_i32 = arith.constant 0 : i32
    %c0_i32_0 = arith.constant 0 : i32
    return %arg0, %c0_i32 : i32, i32
  }
  func.func @transform_3(%arg0: i32) -> (i32, i32) {
    %c0_i32 = arith.constant 0 : i32
    %c0_i32_0 = arith.constant 0 : i32
    return %arg0, %c0_i32 : i32, i32
  }
  func.func @transform_4(%arg0: i32) -> (i32, i32) {
    %c0_i32 = arith.constant 0 : i32
    %c0_i32_0 = arith.constant 0 : i32
    return %arg0, %c0_i32 : i32, i32
  }
  func.func @transform_5(%arg0: i32) -> (i32, i32) {
    %c0_i32 = arith.constant 0 : i32
    %c0_i32_0 = arith.constant 0 : i32
    %c0_i32_1 = arith.constant 0 : i32
    return %c0_i32, %c0_i32_0 : i32, i32
  }
  func.func @transform_6(%arg0: i32) -> (i32, i32) {
    %c0_i32 = arith.constant 0 : i32
    %c0_i32_0 = arith.constant 0 : i32
    %c0_i32_1 = arith.constant 0 : i32
    return %c0_i32, %c0_i32_0 : i32, i32
  }
  func.func @transform_7(%arg0: i32) -> (i32, i32) {
    %c0_i32 = arith.constant 0 : i32
    %c0_i32_0 = arith.constant 0 : i32
    %c0_i32_1 = arith.constant 0 : i32
    return %c0_i32, %c0_i32_0 : i32, i32
  }
  func.func @transform_8(%arg0: i32) -> (i32, i32) {
    %c0_i32 = arith.constant 0 : i32
    %c0_i32_0 = arith.constant 0 : i32
    %c0_i32_1 = arith.constant 0 : i32
    return %c0_i32, %c0_i32_0 : i32, i32
  }
  func.func @transform_9(%arg0: i32) -> (i32, i32) {
    %c0_i32 = arith.constant 0 : i32
    %c0_i32_0 = arith.constant 0 : i32
    %c0_i32_1 = arith.constant 0 : i32
    return %c0_i32, %c0_i32_0 : i32, i32
  }
}

</mosaic_0001>

<sc_bundles>
// kernel: kernel.6.cloned.1.call-start
scs
__scs_entry_jumppad:
0x0: {  	(pc) =	sbr.rel $0x88, $3  }
0x1: {  	(tag) =	ssettag $0x0;
	lr =	simm.s32 $0x1  }
0x2: {  	[smem:$0x3F95] =	sst lr;
	_ =	strace $0xD0000000  }
0x3: {  	_ = 	snop  }
0x4: {  	_ = 	snop  }
0x5: {  	_ = 	snop  }
0x6: {  	_ = 	snop  }
0x7: {  	_ = 	snop  }
__scs_overlays_trampoline_lowered:
0x8: {  	[smem:$0x3FA4] =	sst s0  }
0x9: {  	[smem:$0x3FA5] =	sst s1  }
0xa: {  	[smem:$0x3FA6] =	sst s2  }
0xb: {  	[smem:$0x3FA7] =	sst s3  }
0xc: {  	[smem:$0x3FA8] =	sst s4  }
0xd: {  	[smem:$0x3FA9] =	sst s5  }
0xe: {  	[smem:$0x3FAA] =	sst s6  }
0xf: {  	[smem:$0x3FAB] =	sst s7  }
0x10: {  	[smem:$0x3FAC] =	sst s8  }
0x11: {  	[smem:$0x3FAD] =	sst s9;
	s0 =	simm.s32 @!p0 $0x0  }
0x12: {  	s1 =	sld [smem:$0x3F93];
	s0 =	simm.s32 @p0 $0x1  }
0x13: {  	[smem:$0x3FAE] =	sst s0;
	s0 =	simm.s32 @!p1 $0x0  }
0x14: {  	s2 =	sld [smem:$0x3F92];
	s0 =	simm.s32 @p1 $0x1  }
0x15: {  	[smem:$0x3FAF] =	sst s0;
	s0 =	simm.s32 @!p2 $0x0  }
0x16: {  	s3 =	sld [smem:$0x3FDB];
	s0 =	simm.s32 @p2 $0x1  }
0x17: {  	s4 =	simm.s32 $0x1BF5;
	[smem:$0x3FB1] =	sst s0  }
0x18: {  	s0 =	sld [smem:$0x3F94];
	_ =	swait.ge [sflag:s4], $0x0  }
0x19: {  	s7 =	sld [smem:$0x3F95]  }
0x1a: {  	s8 =	sadd.s32 $0xFFFFE003, lr  }
0x1b: {  	s9 =	sadd.s32 $0xFFFFFEF7, lr;
	s5 =	simm.s32 $0xFFFFFFFF;
	p2 =	slt.u32 s8, $0xFFFFF086  }
0x1c: {  	p1 =	slt.u32 s9, $0xF7A;
	s5 =	simm.s32 @!p2 $0x0  }
0x1d: {  	s5 =	simm.s32 @p1 $0x1;
	p0 =	seq.s32 s7, s2  }
0x1e: {  	s7 =	smul.u32 @!p0 $0xF7A, s2;
	p2 =	seq.s32 @!p0 s5, $0x0  }
0x1f: {  	s9 =	smul.u32 $0xF7A, s1;
	s8 =	simm.s32 @!p0 $0x1BF5;
	p2 =	por !p2, p0  }
0x20: {  	[sflag:s8] =	ssyncset.s32 @!p0 $0xFFFFF086;
	s6 =	sadd.s32 @!p0 s3, s7;
	s7 =	simm.s32 @!p0 $0x108  }
0x21: {  	s3 =	sadd.s32 s3, s9;
	s6 =	sadd.s32 @!p0 $0x88, s6;
	s7 =	simm.s32 @p2 $0x1082  }
0x22: {  	[simem:s7], [sflag:s8] =	dma.local @!p0 [hbm:s6], $0xF7A  }
0x23: {  	s9 =	sor.u32 $0xD0000000, s2;
	s6 =	simm.s32 $0x108;
	_ =	swait.ge @!p0 [sflag:s8], $0x0  }
0x24: {  	s3 =	sadd.s32 $0x88, s3;
	s6 =	simm.s32 @!p1 $0x1082;
	[sflag:s4] =	ssyncset.s32 $0xFFFFF086  }
0x25: {  	[simem:s6], [sflag:s4] =	dma.local [hbm:s3], $0xF7A  }
0x26: {  	[smem:$0x3F95] =	sst s1;
	(tag) =	ssettag s2;
	_ =	strace s9  }
0x27: {  	s1 =	sld [smem:$0x3FA5]  }
0x28: {  	s2 =	sld [smem:$0x3FA6]  }
0x29: {  	s4 =	sld [smem:$0x3FA8]  }
0x2a: {  	p0 =	seq.s32 s5, $0x0;
	s5 =	sld [smem:$0x3FA9]  }
0x2b: {  	s6 =	sld [smem:$0x3FAA]  }
0x2c: {  	s7 =	sld [smem:$0x3FAB]  }
0x2d: {  	s3 =	simm.s32 $0x108;
	s8 =	sld [smem:$0x3FAC]  }
0x2e: {  	s3 =	simm.s32 @!p0 $0x1082;
	s9 =	sld [smem:$0x3FAD]  }
0x2f: {  	lr =	sadd.s32 s0, s3;
	s0 =	sld [smem:$0x3FA4]  }
0x30: {  	s3 =	sld [smem:$0x3FA7]  }
0x31: {  	[smem:$0x3FB0] =	sst s10  }
0x32: {  	s10 =	sld [smem:$0x3FAE];
	_ =	sdelay $0x3  }
0x33: {  	p0 =	seq.s32 s10, $0x1;
	s10 =	sld [smem:$0x3FB0];
	_ =	sdelay $0x3  }
0x34: {  	[smem:$0x3FB0] =	sst s10  }
0x35: {  	s10 =	sld [smem:$0x3FAF];
	_ =	sdelay $0x3  }
0x36: {  	p1 =	seq.s32 s10, $0x1;
	s10 =	sld [smem:$0x3FB0];
	_ =	sdelay $0x3  }
0x37: {  	[smem:$0x3FB0] =	sst s10  }
0x38: {  	s10 =	sld [smem:$0x3FB1]  }
0x39: {  	_ = 	snop;
	(pc) =	sbr.ind lr, $3  }
0x3a: {  	_ = 	snop  }
0x3b: {  	_ = 	snop  }
0x3c: {  	p2 =	seq.s32 s10, $0x1;
	s10 =	sld [smem:$0x3FB0]  }
0x3d: {  	_ =	shalt  }
0x3e: {  	_ =	shalt  }
0x3f: {  	_ =	shalt  }
0x40: {  	_ =	shalt  }
0x41: {  	_ =	shalt  }
0x42: {  	_ =	shalt  }
0x43: {  	_ =	shalt  }
0x44: {  	_ =	shalt  }
0x45: {  	_ =	shalt  }
0x46: {  	_ =	shalt  }
0x47: {  	_ =	shalt  }
0x48: {  	_ =	shalt  }
0x49: {  	_ =	shalt  }
0x4a: {  	_ =	shalt  }
0x4b: {  	_ =	shalt  }
0x4c: {  	_ =	shalt  }
0x4d: {  	_ =	shalt  }
0x4e: {  	_ =	shalt  }
0x4f: {  	_ =	shalt  }
0x50: {  	_ =	shalt  }
0x51: {  	_ =	shalt  }
0x52: {  	_ =	shalt  }
0x53: {  	_ =	shalt  }
0x54: {  	_ =	shalt  }
0x55: {  	_ =	shalt  }
0x56: {  	_ =	shalt  }
0x57: {  	_ =	shalt  }
0x58: {  	_ =	shalt  }
0x59: {  	_ =	shalt  }
0x5a: {  	_ =	shalt  }
0x5b: {  	_ =	shalt  }
0x5c: {  	_ =	shalt  }
0x5d: {  	_ =	shalt  }
0x5e: {  	_ =	shalt  }
0x5f: {  	_ =	shalt  }
0x60: {  	_ =	shalt  }
0x61: {  	_ =	shalt  }
0x62: {  	_ =	shalt  }
0x63: {  	_ =	shalt  }
0x64: {  	_ =	shalt  }
0x65: {  	_ =	shalt  }
0x66: {  	_ =	shalt  }
0x67: {  	_ =	shalt  }
0x68: {  	_ =	shalt  }
0x69: {  	_ =	shalt  }
0x6a: {  	_ =	shalt  }
0x6b: {  	_ =	shalt  }
0x6c: {  	_ =	shalt  }
0x6d: {  	_ =	shalt  }
0x6e: {  	_ =	shalt  }
0x6f: {  	_ =	shalt  }
0x70: {  	_ =	shalt  }
0x71: {  	_ =	shalt  }
0x72: {  	_ =	shalt  }
0x73: {  	_ =	shalt  }
0x74: {  	_ =	shalt  }
0x75: {  	_ =	shalt  }
0x76: {  	_ =	shalt  }
0x77: {  	_ =	shalt  }
0x78: {  	_ =	shalt  }
0x79: {  	_ =	shalt  }
0x7a: {  	_ =	shalt  }
0x7b: {  	_ =	shalt  }
0x7c: {  	_ =	shalt  }
0x7d: {  	_ =	shalt  }
0x7e: {  	_ =	shalt  }
0x7f: {  	_ =	shalt  }
0x80: {  	_ =	shalt  }
0x81: {  	_ =	shalt  }
0x82: {  	_ =	shalt  }
0x83: {  	_ =	shalt  }
0x84: {  	_ =	shalt  }
0x85: {  	_ =	shalt  }
0x86: {  	_ =	shalt  }
0x87: {  	_ =	shalt  }
.Lfunc_end0:
.L_simem_size_0:
called_computation_lowered:
.L_overlay_start_0:
0x88: {  	s2 =	sld [smem:$0x3FD9]  }
0x89: {  	s3 =	sld [smem:$0x3FFE];
	_ =	sdelay $0x1  }
0x8a: {  	s1 =	srdreg.scid  }
0x8b: {  	s0 =	sand.u32 $0x1, s1  }
0x8c: {  	s17 =	sshll.u32 s0, $0xA;
	s2 =	sadd.s32 s3, s2  }
0x8d: {  	s2 =	sadd.s32 s2, s17  }
0x8e: {  	[smem:$0x3FBC] =	sst s2  }
0x8f: {  	_ = 	snop  }
0x90: {  	(tm) =	ssettm $0x1  }
0x91: {  	s18 =	sld [smem:$0x3FFB];
	_ =	sdelay $0x3  }
0x92: {  	_ =	strace s18  }
0x93: {  	s2 =	sld [smem:$0x3FFC];
	_ =	sdelay $0x3  }
0x94: {  	_ =	strace s2  }
0x95: {  	s2 =	sld [smem:$0x3FFD];
	_ =	sdelay $0x3  }
0x96: {  	_ =	strace s2  }
0x97: {  	_ =	strace $0x8FFFFFFF  }
0x98: {  	s19 =	sld [smem:$0x3FDB];
	_ =	sdelay $0x1  }
0x99: {  	s20 =	simm.s32 $_scs_section_size  }
0x9a: {  	s4 =	simm.s32 $_size__tile_overlayer_lowered;
	s5 =	simm.s32 $_tile_overlayer_lowered  }
0x9b: {  	s6 =	simm.s32 $0x1BFF;
	s21 =	sshll.u32 s5, $0x1;
	s3 =	sadd.s32 s20, s19  }
0x9c: {  	s22 =	simm.s32 $0x0;
	s4 =	sshll.u32 s4, $0x1;
	s5 =	sadd.s32 s21, s3  }
0x9d: {  	[timem:s22], [sflag:s6] =	dma.local [hbm:s5], s4  }
0x9e: {  	_ =	swait.ge [sflag:s6], s4  }
0x9f: {  	s4 =	ssub.s32 $0x0, s4;
	[sflag:s6] =	ssyncset.done $0x0  }
0xa0: {  	[sflag:s6] =	ssyncadd.s32 s4;
	_ =	sdelay $0x1  }
0xa1: {  	s23 =	simm.s32 $0x1B8B  }
0xa2: {  	_ =	swait.ge [sflag:s23], $0x1  }
0xa3: {  	[sflag:s23] =	ssyncset.done $0x0  }
0xa4: {  	[sflag:s23] =	ssyncadd.s32 $0xFFFFFFFF  }
0xa5: {  	s4 =	sld [smem:$0x0]  }
0xa6: {  	s5 =	sand.u32 $0xFFFFFFFE, s1  }
0xa7: {  	p0 =	sne.s32 s1, s5  }
0xa8: {  	s5 =	sshll.u32 @p0 s5, $0xE  }
0xa9: {  	s5 =	sadd.s32 @p0 $0x11B8D, s5;
	s6 =	sshll.u32 @p0 s4, $0x11  }
0xaa: {  	s5 =	sor.u32 @p0 s6, s5  }
0xab: {  	[sflag:s5] =	ssyncadd.remote.s32 @p0 $0x1;
	_ =	sdelay $0x1  }
0xac: {  	s5 =	simm.s32 @p0 $0x1B8D  }
0xad: {  	_ =	swait.eq @p0 [sflag:s5], $0x1  }
0xae: {  	[sflag:s5] =	ssyncadd.s32 @p0 $0xFFFFFFFF  }
0xaf: {  	s6 =	sshll.u32 @!p0 s1, $0xE  }
0xb0: {  	s6 =	sor.u32 @!p0 $0x4000, s6;
	s5 =	simm.s32 @!p0 $0x1B8D  }
0xb1: {  	s4 =	sshll.u32 @!p0 s4, $0x11;
	s6 =	sadd.s32 @!p0 $0x11B8D, s6;
	_ =	swait.eq @!p0 [sflag:s5], $0x1  }
0xb2: {  	s4 =	sor.u32 @!p0 s4, s6;
	[sflag:s5] =	ssyncadd.s32 @!p0 $0xFFFFFFFF  }
0xb3: {  	s25 =	simm.s32 $0x1B8E;
	s24 =	sld [smem:$0x3FFE];
	[sflag:s4] =	ssyncadd.remote.s32 @!p0 $0x1  }
0xb4: {  	s26 =	simm.s32 $execute0_lowered;
	[smem:$0x3FD2] =	sst s25  }
0xb5: {  	s5 =	sshll.u32 s26, $0x1;
	_ =	strace $0x80000049;
	[dreg:$0x1] =	wrdreg $0xFFFFFFFF  }
0xb6: {  	s28 =	simm.s32 $_size_execute0_lowered;
	s3 =	sadd.s32 s3, s5;
	[dreg:$0x0] =	wrdreg $0x0  }
0xb7: {  	s5 =	sshll.u32 s28, $0x1;
	[dreg:$0x2] =	wrdreg s3  }
0xb8: {  	[dreg:$0x3] =	wrdreg s5  }
0xb9: {  	[dreg:$0x4] =	wrdreg $0xC0  }
0xba: {  	_ =	task [dreg:s22], $0x5FFFF  }
0xbb: {  	[dreg:$0x1] =	wrdreg $0xFFFFFFFF  }
0xbc: {  	[dreg:$0x0] =	wrdreg $0x60  }
0xbd: {  	[dreg:$0x2] =	wrdreg s24  }
0xbe: {  	[dreg:$0x3] =	wrdreg $0x9  }
0xbf: {  	_ =	task.clear_ibuf [dreg:s22], $0x4FFFF;
	_ =	strace $0x90000049  }
0xc0: {  	s29 =	simm.s32 $0x9;
	_ =	strace $0x8000004B  }
0xc1: {  	_ =	swait.ge [sflag:s29], $0x1  }
0xc2: {  	[sflag:s29] =	ssyncadd.s32 $0xFFFFFFFF  }
0xc3: {  	_ =	strace $0x9000004B  }
0xc4: {  	_ =	sfence  }
0xc5: {  	s30 =	sld [smem:$0x0];
	_ =	sdelay $0x2  }
0xc6: {  	s31 =	sshll.u32 s1, $0xD;
	s1 =	sshrl.u32 s1, $0x2  }
0xc7: {  	s4 =	sand.u32 $0x4000, s31;
	s1 =	sadd.s32 s1, s30  }
0xc8: {  	s0 =	sor.u32 s4, s0;
	s1 =	sshll.u32 s1, $0x11  }
0xc9: {  	s0 =	sor.u32 s1, s0  }
0xca: {  	s0 =	sadd.s32 $0x8F2B, s0  }
0xcb: {  	[sflag:s0] =	ssyncadd.remote.s32 $0x1  }
0xcc: {  	_ =	sfence.sel $0xFFFF  }
0xcd: {  	[dreg:$0x0] =	wrdreg $0xFFFFFFFF;
	(pc) =	sbr.abs _section_cstart, $3  }
0xce: {  	[dreg:$0x1] =	wrdreg $0xFFFFFFFF  }
0xcf: {  	_ =	task.clear_ibuf [dreg:s22], $0x2FFFF;
	_ =	strace $0x9FFFFFFF  }
0xd0: {  	(tm) =	ssettm $0x7FFFFFFF  }
0xd1: {  	_ =	shalt  }
tec
execute0_lowered:
.L_overlay_start_1:
0x0: {  	(tag) =	ssettag $0x1  }
0x1: {  	s4 =	rddreg [dreg:$0x0]  }
0x2: {  	s2 =	srdreg.scid;
	s0 =	stileid.u32;
	s9 =	simm.s32 $0x2  }
0x3: {  	s10 =	simm.s32 $0x1;
	s11 =	simm.s32 $0x300;
	s12 =	simm.s32 $0x0  }
0x4: {  	s3 =	sand.u32 $0x1, s2;
	s5 =	sshll.u32 s0, $0x1;
	s2 =	simm.s32 $0x0  }
0x5: {  	s6 =	sshrl.u32 s0, $0x2;
	s5 =	sor.u32 s3, s5;
	[smem:$0x7FF] =	sst s2  }
0x6: {  	s6 =	smul.u32 $0x1800, s6;
	s31 =	ssub.s32 $0x2, s3;
	s7 =	sshll.u32 s5, $0x7  }
0x7: {  	s3 =	sadd.s32 $0x4200, s4;
	s5 =	smul.u32 $0x3000, s5;
	s7 =	sand.u32 $0x380, s7  }
0x8: {  	_ =	strace $0x8000004A;
	s8 =	sshrl.u32 s31, $0x1;
	s6 =	sor.u32 s6, s7  }
0x9: {  	s5 =	sadd.s32 s5, s4;
	s7 =	ssub.s32 s31, s8;
	s6 =	sshrl.u32 s6, $0x3  }
0xa: {  	s8 =	simm.s32 $0x400;
	s5 =	sadd.s32 $0xFA6600, s5;
	s6 =	sadd.s32 s6, s4  }
0xb: {  	s4 =	sadd.s32 $0x2A00, s6;
	s6 =	smax.u32 s7, $0x1;
	s7 =	simm.s32 $0x80  }
.LBB2_1:
0xc: {  	[tilespmem:s2], [sflag:$0x2] =	stream.strided.gather [hbm4b:s4+s7], $0x300, s8, s7, $0x38;
	[tilespmem:$0x18300] =	vst v63  }
0xd: {  	_ =	swait.ge [sflag:s9], $0x300  }
0xe: {  	[sflag:s9] =	ssyncset.done $0x0  }
0xf: {  	[sflag:s9] =	ssyncadd.s32 $0xFFFFFD00  }
0x10: {  	v0 =	vld [tilespmem:s2+$0x0];
	_ =	sdelay $0x4  }
0x11: {  	v0 =	vshll.u32 v0, $0x4  }
0x12: {  	(v2sf) =	vpush v0, $0x0  }
0x13: {  	(v2sf) =	vpush v0, $0x1  }
0x14: {  	(v2sf) =	vpush v0, $0x2;
	_ =	sdelay $0x1  }
0x15: {  	(v2sf) =	vpush v0, $0x4;
	_ =	sdelay $0x1  }
0x16: {  	(v2sf) =	vpush v0, $0x3  }
0x17: {  	(v2sf) =	vpush v0, $0x5  }
0x18: {  	s14 =	simm.s32 $0x2000;
	s13 =	simm.s32 $0x0;
	s15 =	simm.s32 $0x0;
	(v2sf) =	vpush v0, $0x6  }
.LBB2_2:
0x19: {  	p0 =	sne.s32 s14, $0x5E000  }
0x1a: {  	s25 =	sadd.s32 $0x380, s13;
	s19 =	sadd.s32 $0x880, s13;
	s16 =	smov.u32 s14  }
0x1b: {  	s14 =	sadd.s32 $0x2000, s14;
	s22 =	sadd.s32 $0x680, s13;
	s17 =	sadd.s32 $0x900, s13;
	(v2sf) =	vpush v0, $0x7  }
0x1c: {  	s24 =	sadd.s32 $0x580, s13;
	s21 =	sadd.s32 $0x700, s13;
	s18 =	sadd.s32 $0x980, s13  }
0x1d: {  	s26 =	sadd.s32 $0x300, s13;
	s28 =	sadd.s32 $0x500, s13;
	(v2sf) =	vpush v0, $0x8  }
0x1e: {  	s29 =	sadd.s32 $0x600, s13;
	s15 =	sadd.s32 $0x10, s15  }
0x1f: {  	s30 =	sadd.s32 $0x400, s13;
	s20 =	sadd.s32 $0x800, s13;
	s23 =	spop (v2sf);
	(v2sf) =	vpush v0, $0x9  }
0x20: {  	s31 =	sand.u32 $0x1FFFFFF0, s23;
	s23 =	sadd.s32 $0x780, s13;
	s0 =	spop (v2sf)  }
0x21: {  	s31 =	sadd.s32 s3, s31;
	s0 =	sand.u32 $0x1FFFFFF0, s0;
	s1 =	spop (v2sf);
	(v2sf) =	vpush v0, $0xA  }
0x22: {  	[tilespmem:s26], [sflag:$0x1] =	stream.linear.gather [hbm4b:s31+s2], $0x80, $0x38;
	[tilespmem:$0x18300] =	vst v63  }
0x23: {  	s0 =	sadd.s32 s3, s0;
	s26 =	sadd.s32 $0x480, s13;
	s31 =	spop (v2sf);
	(v2sf) =	vpush v0, $0xB  }
0x24: {  	[tilespmem:s25], [sflag:$0x1] =	stream.linear.gather [hbm4b:s0+s2], $0x80, $0x38;
	[tilespmem:$0x18300] =	vst v63  }
0x25: {  	s0 =	sand.u32 $0x1FFFFFF0, s1;
	s1 =	sand.u32 $0x1FFFFFF0, s31;
	s25 =	spop (v2sf);
	(v2sf) =	vpush v0, $0xC  }
0x26: {  	s0 =	sadd.s32 s3, s0;
	s25 =	sand.u32 $0x1FFFFFF0, s25;
	s31 =	spop (v2sf)  }
0x27: {  	[tilespmem:s30], [sflag:$0x1] =	stream.linear.gather [hbm4b:s0+s2], $0x80, $0x38;
	(v2sf) =	vpush v0, $0xD;
	[tilespmem:$0x18300] =	vst v63  }
0x28: {  	s0 =	sadd.s32 s3, s25;
	s25 =	sand.u32 $0x1FFFFFF0, s31;
	s30 =	spop (v2sf)  }
0x29: {  	[tilespmem:s26], [sflag:$0x1] =	stream.linear.gather [hbm4b:s0+s2], $0x80, $0x38;
	(v2sf) =	vpush v0, $0xE;
	[tilespmem:$0x18300] =	vst v63  }
0x2a: {  	s0 =	sadd.s32 s3, s1;
	s1 =	sand.u32 $0x1FFFFFF0, s30;
	s26 =	spop (v2sf)  }
0x2b: {  	[tilespmem:s28], [sflag:$0x1] =	stream.linear.gather [hbm4b:s0+s2], $0x80, $0x38;
	(v2sf) =	vpush v0, $0xF;
	[tilespmem:$0x18300] =	vst v63  }
0x2c: {  	s0 =	sadd.s32 s3, s25;
	s25 =	sand.u32 $0x1FFFFFF0, s26;
	s26 =	spop (v2sf)  }
0x2d: {  	[tilespmem:s24], [sflag:$0x1] =	stream.linear.gather [hbm4b:s0+s2], $0x80, $0x38;
	[tilespmem:$0x18300] =	vst v63  }
0x2e: {  	s0 =	sadd.s32 s3, s1;
	s1 =	sand.u32 $0x1FFFFFF0, s26;
	s24 =	spop (v2sf)  }
0x2f: {  	[tilespmem:s29], [sflag:$0x1] =	stream.linear.gather [hbm4b:s0+s2], $0x80, $0x38;
	[tilespmem:$0x18300] =	vst v63  }
0x30: {  	s0 =	sadd.s32 s3, s25;
	s24 =	sand.u32 $0x1FFFFFF0, s24;
	s25 =	spop (v2sf)  }
0x31: {  	[tilespmem:s22], [sflag:$0x1] =	stream.linear.gather [hbm4b:s0+s2], $0x80, $0x38;
	[tilespmem:$0x18300] =	vst v63  }
0x32: {  	s0 =	sadd.s32 s3, s1;
	s1 =	sand.u32 $0x1FFFFFF0, s25;
	s22 =	spop (v2sf)  }
0x33: {  	[tilespmem:s21], [sflag:$0x1] =	stream.linear.gather [hbm4b:s0+s2], $0x80, $0x38;
	[tilespmem:$0x18300] =	vst v63  }
0x34: {  	s0 =	sadd.s32 s3, s24;
	s21 =	sand.u32 $0x1FFFFFF0, s22;
	s22 =	spop (v2sf)  }
0x35: {  	[tilespmem:s23], [sflag:$0x1] =	stream.linear.gather [hbm4b:s0+s2], $0x80, $0x38;
	[tilespmem:$0x18300] =	vst v63  }
0x36: {  	s0 =	sadd.s32 s3, s1;
	s1 =	sand.u32 $0x1FFFFFF0, s22;
	s22 =	spop (v2sf)  }
0x37: {  	[tilespmem:s20], [sflag:$0x1] =	stream.linear.gather [hbm4b:s0+s2], $0x80, $0x38;
	[tilespmem:$0x18300] =	vst v63  }
0x38: {  	s0 =	sadd.s32 s3, s21;
	s20 =	sand.u32 $0x1FFFFFF0, s22;
	s21 =	spop (v2sf)  }
0x39: {  	[tilespmem:s19], [sflag:$0x1] =	stream.linear.gather [hbm4b:s0+s2], $0x80, $0x38;
	[tilespmem:$0x18300] =	vst v63  }
0x3a: {  	s0 =	sadd.s32 s3, s1;
	s1 =	sand.u32 $0x1FFFFFF0, s21;
	s19 =	spop (v2sf)  }
0x3b: {  	[tilespmem:s17], [sflag:$0x1] =	stream.linear.gather [hbm4b:s0+s2], $0x80, $0x38;
	[tilespmem:$0x18300] =	vst v63  }
0x3c: {  	s0 =	sadd.s32 s3, s20;
	s17 =	sand.u32 $0x1FFFFFF0, s19  }
0x3d: {  	[tilespmem:s18], [sflag:$0x1] =	stream.linear.gather [hbm4b:s0+s2], $0x80, $0x38;
	[tilespmem:$0x18300] =	vst v63  }
0x3e: {  	s1 =	sadd.s32 s3, s1;
	s0 =	sadd.s32 $0xA00, s13  }
0x3f: {  	[tilespmem:s0], [sflag:$0x1] =	stream.linear.gather [hbm4b:s1+s2], $0x80, $0x38;
	[tilespmem:$0x18300] =	vst v63  }
0x40: {  	s0 =	sadd.s32 $0xA80, s13;
	s1 =	sadd.s32 s3, s17  }
0x41: {  	[tilespmem:s0], [sflag:$0x1] =	stream.linear.gather [hbm4b:s1+s2], $0x80, $0x38;
	[tilespmem:$0x18300] =	vst v63  }
0x42: {  	v0 =	vld [tilespmem:s15+$0x0];
	_ =	sdelay $0x4  }
0x43: {  	v0 =	vshll.u32 v0, $0x4  }
0x44: {  	(v2sf) =	vpush v0, $0x0  }
0x45: {  	(v2sf) =	vpush v0, $0x1  }
0x46: {  	(v2sf) =	vpush v0, $0x2;
	_ =	sdelay $0x1  }
0x47: {  	(v2sf) =	vpush v0, $0x4  }
.Ltmp0:
0x48: {  	(pc) =	sbr.rel @p0 .LBB2_2-.Ltmp0, $3  }
0x49: {  	(v2sf) =	vpush v0, $0x3  }
0x4a: {  	(v2sf) =	vpush v0, $0x5;
	_ =	sdelay $0x1  }
0x4b: {  	s13 =	sshra.s32 s16, $0x2;
	(v2sf) =	vpush v0, $0x6  }
0x4c: {  	_ =	sdelay $0x1  }
0x4d: {  	s0 =	sadd.s32 $0x380, s13;
	s16 =	sadd.s32 $0x880, s13  }
0x4e: {  	s1 =	sadd.s32 $0x680, s13;
	s14 =	sadd.s32 $0x900, s13;
	(v2sf) =	vpush v0, $0x7;
	s17 =	sadd.s32 $0x580, s13  }
0x4f: {  	s18 =	sadd.s32 $0x700, s13;
	s15 =	sadd.s32 $0x980, s13;
	s19 =	sadd.s32 $0x300, s13  }
0x50: {  	s20 =	sadd.s32 $0x500, s13;
	s21 =	sadd.s32 $0x600, s13;
	(v2sf) =	vpush v0, $0x8;
	s22 =	spop (v2sf)  }
0x51: {  	s23 =	sadd.s32 $0x400, s13;
	s22 =	sand.u32 $0x1FFFFFF0, s22;
	s24 =	spop (v2sf)  }
0x52: {  	(v2sf) =	vpush v0, $0x9;
	s22 =	sadd.s32 s3, s22;
	s24 =	sand.u32 $0x1FFFFFF0, s24;
	s25 =	spop (v2sf)  }
0x53: {  	[tilespmem:s19], [sflag:$0x1] =	stream.linear.gather [hbm4b:s22+s2], $0x80, $0x38;
	[tilespmem:$0x18300] =	vst v63  }
0x54: {  	(v2sf) =	vpush v0, $0xA;
	s26 =	sadd.s32 s3, s24;
	s29 =	sand.u32 $0x1FFFFFF0, s25;
	s28 =	spop (v2sf)  }
0x55: {  	[tilespmem:s0], [sflag:$0x1] =	stream.linear.gather [hbm4b:s26+s2], $0x80, $0x38;
	[tilespmem:$0x18300] =	vst v63  }
0x56: {  	s19 =	sadd.s32 $0x800, s13;
	(v2sf) =	vpush v0, $0xB;
	s22 =	sadd.s32 s3, s29;
	s30 =	spop (v2sf)  }
0x57: {  	s0 =	sadd.s32 $0x780, s13;
	s26 =	sadd.s32 $0x480, s13;
	s25 =	sand.u32 $0x1FFFFFF0, s30  }
0x58: {  	(v2sf) =	vpush v0, $0xC;
	[tilespmem:s23], [sflag:$0x1] =	stream.linear.gather [hbm4b:s22+s2], $0x80, $0x38;
	[tilespmem:$0x18300] =	vst v63  }
0x59: {  	s31 =	sand.u32 $0x1FFFFFF0, s28;
	s28 =	spop (v2sf);
	s29 =	sadd.s32 s3, s25  }
0x5a: {  	(v2sf) =	vpush v0, $0xD;
	[tilespmem:s26], [sflag:$0x1] =	stream.linear.gather [hbm4b:s29+s2], $0x80, $0x38;
	[tilespmem:$0x18300] =	vst v63  }
0x5b: {  	s22 =	sadd.s32 s3, s31;
	s23 =	sand.u32 $0x1FFFFFF0, s28;
	s30 =	spop (v2sf)  }
0x5c: {  	(v2sf) =	vpush v0, $0xE;
	[tilespmem:s20], [sflag:$0x1] =	stream.linear.gather [hbm4b:s22+s2], $0x80, $0x38;
	[tilespmem:$0x18300] =	vst v63  }
0x5d: {  	s23 =	sadd.s32 s3, s23;
	s31 =	sand.u32 $0x1FFFFFF0, s30;
	s24 =	spop (v2sf)  }
0x5e: {  	(v2sf) =	vpush v0, $0xF;
	[tilespmem:s17], [sflag:$0x1] =	stream.linear.gather [hbm4b:s23+s2], $0x80, $0x38;
	[tilespmem:$0x18300] =	vst v63  }
0x5f: {  	s25 =	sand.u32 $0x1FFFFFF0, s24;
	s26 =	spop (v2sf);
	s20 =	sadd.s32 s3, s31  }
0x60: {  	[tilespmem:s21], [sflag:$0x1] =	stream.linear.gather [hbm4b:s20+s2], $0x80, $0x38;
	[tilespmem:$0x18300] =	vst v63  }
0x61: {  	s28 =	sand.u32 $0x1FFFFFF0, s26;
	s17 =	sadd.s32 s3, s25;
	s29 =	spop (v2sf)  }
0x62: {  	[tilespmem:s1], [sflag:$0x1] =	stream.linear.gather [hbm4b:s17+s2], $0x80, $0x38;
	[tilespmem:$0x18300] =	vst v63  }
0x63: {  	s20 =	sadd.s32 s3, s28;
	s30 =	sand.u32 $0x1FFFFFF0, s29;
	s31 =	spop (v2sf)  }
0x64: {  	[tilespmem:s18], [sflag:$0x1] =	stream.linear.gather [hbm4b:s20+s2], $0x80, $0x38;
	[tilespmem:$0x18300] =	vst v63  }
0x65: {  	s17 =	sand.u32 $0x1FFFFFF0, s31;
	s1 =	sadd.s32 s3, s30;
	s20 =	spop (v2sf)  }
0x66: {  	[tilespmem:s0], [sflag:$0x1] =	stream.linear.gather [hbm4b:s1+s2], $0x80, $0x38;
	[tilespmem:$0x18300] =	vst v63  }
0x67: {  	s17 =	sadd.s32 s3, s17;
	s21 =	sand.u32 $0x1FFFFFF0, s20;
	s22 =	spop (v2sf)  }
0x68: {  	[tilespmem:s19], [sflag:$0x1] =	stream.linear.gather [hbm4b:s17+s2], $0x80, $0x38;
	[tilespmem:$0x18300] =	vst v63  }
0x69: {  	s0 =	sadd.s32 s3, s21;
	s1 =	sand.u32 $0x1FFFFFF0, s22;
	s23 =	spop (v2sf)  }
0x6a: {  	[tilespmem:s16], [sflag:$0x1] =	stream.linear.gather [hbm4b:s0+s2], $0x80, $0x38;
	[tilespmem:$0x18300] =	vst v63  }
0x6b: {  	s24 =	sand.u32 $0x1FFFFFF0, s23;
	s1 =	sadd.s32 s3, s1;
	s25 =	spop (v2sf)  }
0x6c: {  	[tilespmem:s14], [sflag:$0x1] =	stream.linear.gather [hbm4b:s1+s2], $0x80, $0x38;
	[tilespmem:$0x18300] =	vst v63  }
0x6d: {  	s26 =	sand.u32 $0x1FFFFFF0, s25;
	s28 =	spop (v2sf);
	s0 =	sadd.s32 s3, s24  }
0x6e: {  	[tilespmem:s15], [sflag:$0x1] =	stream.linear.gather [hbm4b:s0+s2], $0x80, $0x38;
	[tilespmem:$0x18300] =	vst v63  }
0x6f: {  	s30 =	sadd.s32 $0xA00, s13;
	s29 =	sand.u32 $0x1FFFFFF0, s28;
	s1 =	sadd.s32 s3, s26  }
0x70: {  	[tilespmem:s30], [sflag:$0x1] =	stream.linear.gather [hbm4b:s1+s2], $0x80, $0x38;
	[tilespmem:$0x18300] =	vst v63  }
0x71: {  	s31 =	sadd.s32 $0xA80, s13;
	s0 =	sadd.s32 s3, s29  }
0x72: {  	[tilespmem:s31], [sflag:$0x1] =	stream.linear.gather [hbm4b:s0+s2], $0x80, $0x38;
	[tilespmem:$0x18300] =	vst v63  }
0x73: {  	s12 =	sadd.s32 $0x1, s12;
	_ =	swait.ge [sflag:s10], $0x18000  }
0x74: {  	p0 =	sne.s32 s12, s6;
	[sflag:s10] =	ssyncset.done $0x0  }
.Ltmp1:
0x75: {  	[sflag:s10] =	ssyncadd.s32 $0xFFFE8000;
	(pc) =	sbr.rel @p0 .LBB2_1-.Ltmp1, $4  }
0x76: {  	[hbm4b:s5+s2] =	stream.linear.scatter [tilespmem:s11], [sflag:$0x2], $0x18000, $0x38;
	[tilespmem:$0x18300] =	vst v63  }
0x77: {  	_ =	swait.ge [sflag:s9], $0x18000  }
0x78: {  	[sflag:s9] =	ssyncset.done $0x0  }
0x79: {  	[sflag:s9] =	ssyncadd.s32 $0xFFFE8000  }
0x7a: {  	_ =	sfence.sel $0x180000  }
0x7b: {  	[bflag:$0x0] =	sbarrier.arrive $0xFFFF  }
0x7c: {  	_ =	strace $0x9000004A  }
0x7d: {  	s0 =	stileid.u32;
	[bflag:$0x2] =	sbarrier.arrive $0xFFFF  }
0x7e: {  	p0 =	sne.s32 s0, $0x0;
	s0 =	rddreg [dreg:$0x1]  }
0x7f: {  	s0 =	sadd.s32 @!p0 $0x100000, s0  }
0x80: {  	[sflag:s0] =	ssyncadd.tile.s32 @!p0 $0x1;
	_ =	shalt  }
.Lfunc_end2:
_tile_overlayer_lowered:
.L_overlay_start_2:
0x81: {  	(tag) =	ssettag $0x2  }
0x82: {  	s0 =	rddreg [dreg:$0x0];
	s2 =	stileid.u32  }
0x83: {  	s1 =	rddreg [dreg:$0x1];
	p0 =	sne.s32 s2, $0x0  }
0x84: {  	s3 =	rddreg [dreg:$0x2];
	[bflag:$0x3] =	sbarrier.arrive $0xFFFF;
	s2 =	simm.s32 @!p0 $0x1C02  }
0x85: {  	[timem:s3], [sflag:s2] =	dma.local @!p0 [hbm:s0], s1  }
0x86: {  	s0 =	simm.s32 @!p0 $0x2  }
0x87: {  	_ =	swait.ge @!p0 [sflag:s0], s1  }
0x88: {  	s1 =	ssub.s32 @!p0 $0x0, s1;
	[sflag:s0] =	ssyncset.done @!p0 $0x0  }
0x89: {  	[sflag:s0] =	ssyncadd.s32 @!p0 s1  }
0x8a: {  	[bflag:$0x3] =	sbarrier.arrive $0xFFFF  }
0x8b: {  	_ =	shalt  }

// kernel: kernel.9.cloned.1.call-start
scs
__scs_entry_jumppad:
0x0: {  	(pc) =	sbr.rel $0x88, $3  }
0x1: {  	(tag) =	ssettag $0x0;
	lr =	simm.s32 $0x1  }
0x2: {  	[smem:$0x3F95] =	sst lr;
	_ =	strace $0xD0000000  }
0x3: {  	_ = 	snop  }
0x4: {  	_ = 	snop  }
0x5: {  	_ = 	snop  }
0x6: {  	_ = 	snop  }
0x7: {  	_ = 	snop  }
__scs_overlays_trampoline_lowered:
0x8: {  	[smem:$0x3FA4] =	sst s0  }
0x9: {  	[smem:$0x3FA5] =	sst s1  }
0xa: {  	[smem:$0x3FA6] =	sst s2  }
0xb: {  	[smem:$0x3FA7] =	sst s3  }
0xc: {  	[smem:$0x3FA8] =	sst s4  }
0xd: {  	[smem:$0x3FA9] =	sst s5  }
0xe: {  	[smem:$0x3FAA] =	sst s6  }
0xf: {  	[smem:$0x3FAB] =	sst s7  }
0x10: {  	[smem:$0x3FAC] =	sst s8  }
0x11: {  	[smem:$0x3FAD] =	sst s9;
	s0 =	simm.s32 @!p0 $0x0  }
0x12: {  	s1 =	sld [smem:$0x3F93];
	s0 =	simm.s32 @p0 $0x1  }
0x13: {  	[smem:$0x3FAE] =	sst s0;
	s0 =	simm.s32 @!p1 $0x0  }
0x14: {  	s2 =	sld [smem:$0x3F92];
	s0 =	simm.s32 @p1 $0x1  }
0x15: {  	[smem:$0x3FAF] =	sst s0;
	s0 =	simm.s32 @!p2 $0x0  }
0x16: {  	s3 =	sld [smem:$0x3FDB];
	s0 =	simm.s32 @p2 $0x1  }
0x17: {  	s4 =	simm.s32 $0x1BF5;
	[smem:$0x3FB1] =	sst s0  }
0x18: {  	s0 =	sld [smem:$0x3F94];
	_ =	swait.ge [sflag:s4], $0x0  }
0x19: {  	s7 =	sld [smem:$0x3F95]  }
0x1a: {  	s8 =	sadd.s32 $0xFFFFE003, lr  }
0x1b: {  	s9 =	sadd.s32 $0xFFFFFEF7, lr;
	s5 =	simm.s32 $0xFFFFFFFF;
	p2 =	slt.u32 s8, $0xFFFFF086  }
0x1c: {  	p1 =	slt.u32 s9, $0xF7A;
	s5 =	simm.s32 @!p2 $0x0  }
0x1d: {  	s5 =	simm.s32 @p1 $0x1;
	p0 =	seq.s32 s7, s2  }
0x1e: {  	s7 =	smul.u32 @!p0 $0xF7A, s2;
	p2 =	seq.s32 @!p0 s5, $0x0  }
0x1f: {  	s9 =	smul.u32 $0xF7A, s1;
	s8 =	simm.s32 @!p0 $0x1BF5;
	p2 =	por !p2, p0  }
0x20: {  	[sflag:s8] =	ssyncset.s32 @!p0 $0xFFFFF086;
	s6 =	sadd.s32 @!p0 s3, s7;
	s7 =	simm.s32 @!p0 $0x108  }
0x21: {  	s3 =	sadd.s32 s3, s9;
	s6 =	sadd.s32 @!p0 $0x88, s6;
	s7 =	simm.s32 @p2 $0x1082  }
0x22: {  	[simem:s7], [sflag:s8] =	dma.local @!p0 [hbm:s6], $0xF7A  }
0x23: {  	s9 =	sor.u32 $0xD0000000, s2;
	s6 =	simm.s32 $0x108;
	_ =	swait.ge @!p0 [sflag:s8], $0x0  }
0x24: {  	s3 =	sadd.s32 $0x88, s3;
	s6 =	simm.s32 @!p1 $0x1082;
	[sflag:s4] =	ssyncset.s32 $0xFFFFF086  }
0x25: {  	[simem:s6], [sflag:s4] =	dma.local [hbm:s3], $0xF7A  }
0x26: {  	[smem:$0x3F95] =	sst s1;
	(tag) =	ssettag s2;
	_ =	strace s9  }
0x27: {  	s1 =	sld [smem:$0x3FA5]  }
0x28: {  	s2 =	sld [smem:$0x3FA6]  }
0x29: {  	s4 =	sld [smem:$0x3FA8]  }
0x2a: {  	p0 =	seq.s32 s5, $0x0;
	s5 =	sld [smem:$0x3FA9]  }
0x2b: {  	s6 =	sld [smem:$0x3FAA]  }
0x2c: {  	s7 =	sld [smem:$0x3FAB]  }
0x2d: {  	s3 =	simm.s32 $0x108;
	s8 =	sld [smem:$0x3FAC]  }
0x2e: {  	s3 =	simm.s32 @!p0 $0x1082;
	s9 =	sld [smem:$0x3FAD]  }
0x2f: {  	lr =	sadd.s32 s0, s3;
	s0 =	sld [smem:$0x3FA4]  }
0x30: {  	s3 =	sld [smem:$0x3FA7]  }
0x31: {  	[smem:$0x3FB0] =	sst s10  }
0x32: {  	s10 =	sld [smem:$0x3FAE];
	_ =	sdelay $0x3  }
0x33: {  	p0 =	seq.s32 s10, $0x1;
	s10 =	sld [smem:$0x3FB0];
	_ =	sdelay $0x3  }
0x34: {  	[smem:$0x3FB0] =	sst s10  }
0x35: {  	s10 =	sld [smem:$0x3FAF];
	_ =	sdelay $0x3  }
0x36: {  	p1 =	seq.s32 s10, $0x1;
	s10 =	sld [smem:$0x3FB0];
	_ =	sdelay $0x3  }
0x37: {  	[smem:$0x3FB0] =	sst s10  }
0x38: {  	s10 =	sld [smem:$0x3FB1]  }
0x39: {  	_ = 	snop;
	(pc) =	sbr.ind lr, $3  }
0x3a: {  	_ = 	snop  }
0x3b: {  	_ = 	snop  }
0x3c: {  	p2 =	seq.s32 s10, $0x1;
	s10 =	sld [smem:$0x3FB0]  }
0x3d: {  	_ =	shalt  }
0x3e: {  	_ =	shalt  }
0x3f: {  	_ =	shalt  }
0x40: {  	_ =	shalt  }
0x41: {  	_ =	shalt  }
0x42: {  	_ =	shalt  }
0x43: {  	_ =	shalt  }
0x44: {  	_ =	shalt  }
0x45: {  	_ =	shalt  }
0x46: {  	_ =	shalt  }
0x47: {  	_ =	shalt  }
0x48: {  	_ =	shalt  }
0x49: {  	_ =	shalt  }
0x4a: {  	_ =	shalt  }
0x4b: {  	_ =	shalt  }
0x4c: {  	_ =	shalt  }
0x4d: {  	_ =	shalt  }
0x4e: {  	_ =	shalt  }
0x4f: {  	_ =	shalt  }
0x50: {  	_ =	shalt  }
0x51: {  	_ =	shalt  }
0x52: {  	_ =	shalt  }
0x53: {  	_ =	shalt  }
0x54: {  	_ =	shalt  }
0x55: {  	_ =	shalt  }
0x56: {  	_ =	shalt  }
0x57: {  	_ =	shalt  }
0x58: {  	_ =	shalt  }
0x59: {  	_ =	shalt  }
0x5a: {  	_ =	shalt  }
0x5b: {  	_ =	shalt  }
0x5c: {  	_ =	shalt  }
0x5d: {  	_ =	shalt  }
0x5e: {  	_ =	shalt  }
0x5f: {  	_ =	shalt  }
0x60: {  	_ =	shalt  }
0x61: {  	_ =	shalt  }
0x62: {  	_ =	shalt  }
0x63: {  	_ =	shalt  }
0x64: {  	_ =	shalt  }
0x65: {  	_ =	shalt  }
0x66: {  	_ =	shalt  }
0x67: {  	_ =	shalt  }
0x68: {  	_ =	shalt  }
0x69: {  	_ =	shalt  }
0x6a: {  	_ =	shalt  }
0x6b: {  	_ =	shalt  }
0x6c: {  	_ =	shalt  }
0x6d: {  	_ =	shalt  }
0x6e: {  	_ =	shalt  }
0x6f: {  	_ =	shalt  }
0x70: {  	_ =	shalt  }
0x71: {  	_ =	shalt  }
0x72: {  	_ =	shalt  }
0x73: {  	_ =	shalt  }
0x74: {  	_ =	shalt  }
0x75: {  	_ =	shalt  }
0x76: {  	_ =	shalt  }
0x77: {  	_ =	shalt  }
0x78: {  	_ =	shalt  }
0x79: {  	_ =	shalt  }
0x7a: {  	_ =	shalt  }
0x7b: {  	_ =	shalt  }
0x7c: {  	_ =	shalt  }
0x7d: {  	_ =	shalt  }
0x7e: {  	_ =	shalt  }
0x7f: {  	_ =	shalt  }
0x80: {  	_ =	shalt  }
0x81: {  	_ =	shalt  }
0x82: {  	_ =	shalt  }
0x83: {  	_ =	shalt  }
0x84: {  	_ =	shalt  }
0x85: {  	_ =	shalt  }
0x86: {  	_ =	shalt  }
0x87: {  	_ =	shalt  }
.Lfunc_end0:
.L_simem_size_0:
called_computation.1_lowered:
.L_overlay_start_0:
0x88: {  	s2 =	sld [smem:$0x3FD9]  }
0x89: {  	s3 =	sld [smem:$0x3FFE];
	_ =	sdelay $0x1  }
0x8a: {  	s1 =	srdreg.scid  }
0x8b: {  	s0 =	sand.u32 $0x1, s1  }
0x8c: {  	s16 =	sshll.u32 s0, $0xA;
	s2 =	sadd.s32 s3, s2  }
0x8d: {  	s2 =	sadd.s32 s2, s16  }
0x8e: {  	[smem:$0x3FBC] =	sst s2  }
0x8f: {  	_ = 	snop  }
0x90: {  	(tm) =	ssettm $0x1  }
0x91: {  	s17 =	sld [smem:$0x3FFB];
	_ =	sdelay $0x3  }
0x92: {  	_ =	strace s17  }
0x93: {  	s2 =	sld [smem:$0x3FFC];
	_ =	sdelay $0x3  }
0x94: {  	_ =	strace s2  }
0x95: {  	s2 =	sld [smem:$0x3FFD];
	_ =	sdelay $0x3  }
0x96: {  	_ =	strace s2  }
0x97: {  	_ =	strace $0x8FFFFFFF  }
0x98: {  	s18 =	sld [smem:$0x3FDB];
	_ =	sdelay $0x1  }
0x99: {  	s19 =	simm.s32 $_scs_section_size  }
0x9a: {  	s4 =	simm.s32 $_size__tile_overlayer_lowered;
	s5 =	simm.s32 $_tile_overlayer_lowered  }
0x9b: {  	s22 =	simm.s32 $0x1BFF;
	s21 =	sshll.u32 s5, $0x1;
	s2 =	sadd.s32 s19, s18  }
0x9c: {  	s6 =	simm.s32 $0x0;
	s20 =	sshll.u32 s4, $0x1;
	s4 =	sadd.s32 s21, s2  }
0x9d: {  	[timem:s6], [sflag:s22] =	dma.local [hbm:s4], s20  }
0x9e: {  	_ =	swait.ge [sflag:s22], s20  }
0x9f: {  	s3 =	ssub.s32 $0x0, s20;
	[sflag:s22] =	ssyncset.done $0x0  }
0xa0: {  	[sflag:s22] =	ssyncadd.s32 s3;
	_ =	sdelay $0x1  }
0xa1: {  	s23 =	simm.s32 $0x1B8B  }
0xa2: {  	_ =	swait.ge [sflag:s23], $0x1  }
0xa3: {  	[sflag:s23] =	ssyncset.done $0x0  }
0xa4: {  	s25 =	simm.s32 $0x1B8E;
	s24 =	sld [smem:$0x3FFE];
	[sflag:s23] =	ssyncadd.s32 $0xFFFFFFFF  }
0xa5: {  	s26 =	simm.s32 $execute0_lowered;
	[smem:$0x3FD2] =	sst s25  }
0xa6: {  	s4 =	sshll.u32 s26, $0x1;
	_ =	strace $0x80000046;
	[dreg:$0x1] =	wrdreg $0xFFFFFFFF  }
0xa7: {  	s28 =	simm.s32 $_size_execute0_lowered;
	s2 =	sadd.s32 s2, s4;
	[dreg:$0x0] =	wrdreg $0x0  }
0xa8: {  	s4 =	sshll.u32 s28, $0x1;
	[dreg:$0x2] =	wrdreg s2  }
0xa9: {  	[dreg:$0x3] =	wrdreg s4  }
0xaa: {  	[dreg:$0x4] =	wrdreg $0xC0  }
0xab: {  	_ =	task [dreg:s6], $0x5FFFF  }
0xac: {  	[dreg:$0x1] =	wrdreg $0xFFFFFFFF  }
0xad: {  	[dreg:$0x0] =	wrdreg $0x60  }
0xae: {  	[dreg:$0x2] =	wrdreg s24  }
0xaf: {  	[dreg:$0x3] =	wrdreg $0xA  }
0xb0: {  	_ =	task.clear_ibuf [dreg:s6], $0x4FFFF;
	_ =	strace $0x90000046  }
0xb1: {  	s29 =	simm.s32 $0xA;
	_ =	strace $0x80000048  }
0xb2: {  	_ =	swait.ge [sflag:s29], $0x1  }
0xb3: {  	[sflag:s29] =	ssyncadd.s32 $0xFFFFFFFF  }
0xb4: {  	_ =	strace $0x90000048  }
0xb5: {  	_ =	sfence  }
0xb6: {  	s30 =	sld [smem:$0x0];
	_ =	sdelay $0x2  }
0xb7: {  	s31 =	sshll.u32 s1, $0xD;
	s1 =	sshrl.u32 s1, $0x2  }
0xb8: {  	s3 =	sand.u32 $0x4000, s31;
	s1 =	sadd.s32 s1, s30  }
0xb9: {  	s0 =	sor.u32 s3, s0;
	s1 =	sshll.u32 s1, $0x11  }
0xba: {  	s0 =	sor.u32 s1, s0  }
0xbb: {  	s0 =	sadd.s32 $0x8F2B, s0  }
0xbc: {  	[sflag:s0] =	ssyncadd.remote.s32 $0x1  }
0xbd: {  	_ =	sfence.sel $0xFFFF  }
0xbe: {  	[dreg:$0x0] =	wrdreg $0xFFFFFFFF;
	(pc) =	sbr.abs _section_cstart, $3  }
0xbf: {  	[dreg:$0x1] =	wrdreg $0xFFFFFFFF  }
0xc0: {  	_ =	task.clear_ibuf [dreg:s6], $0x2FFFF;
	_ =	strace $0x9FFFFFFF  }
0xc1: {  	(tm) =	ssettm $0x7FFFFFFF  }
tec
execute0_lowered:
.L_overlay_start_1:
0x0: {  	(tag) =	ssettag $0x1  }
0x1: {  	s4 =	rddreg [dreg:$0x0]  }
0x2: {  	s2 =	srdreg.scid;
	s0 =	stileid.u32;
	s9 =	simm.s32 $0x2  }
0x3: {  	s10 =	simm.s32 $0x1;
	s11 =	simm.s32 $0x300;
	s12 =	simm.s32 $0x0  }
0x4: {  	s3 =	sand.u32 $0x1, s2;
	s5 =	sshll.u32 s0, $0x1;
	s2 =	simm.s32 $0x0  }
0x5: {  	s6 =	sshrl.u32 s0, $0x2;
	s5 =	sor.u32 s3, s5;
	[smem:$0x7FF] =	sst s2  }
0x6: {  	s6 =	smul.u32 $0x1800, s6;
	s31 =	ssub.s32 $0x2, s3;
	s7 =	sshll.u32 s5, $0x7  }
0x7: {  	s3 =	sadd.s32 $0x4200, s4;
	s5 =	smul.u32 $0x3000, s5;
	s7 =	sand.u32 $0x380, s7  }
0x8: {  	_ =	strace $0x80000047;
	s8 =	sshrl.u32 s31, $0x1;
	s6 =	sor.u32 s6, s7  }
0x9: {  	s5 =	sadd.s32 s5, s4;
	s7 =	ssub.s32 s31, s8;
	s6 =	sshrl.u32 s6, $0x3  }
0xa: {  	s8 =	simm.s32 $0x400;
	s5 =	sadd.s32 $0xF46600, s5;
	s6 =	sadd.s32 s6, s4  }
0xb: {  	s4 =	sadd.s32 $0x3600, s6;
	s6 =	smax.u32 s7, $0x1;
	s7 =	simm.s32 $0x80  }
.LBB2_1:
0xc: {  	[tilespmem:s2], [sflag:$0x2] =	stream.strided.gather [hbm4b:s4+s7], $0x300, s8, s7, $0x38;
	[tilespmem:$0x18300] =	vst v63  }
0xd: {  	_ =	swait.ge [sflag:s9], $0x300  }
0xe: {  	[sflag:s9] =	ssyncset.done $0x0  }
0xf: {  	[sflag:s9] =	ssyncadd.s32 $0xFFFFFD00  }
0x10: {  	v0 =	vld [tilespmem:s2+$0x0];
	_ =	sdelay $0x4  }
0x11: {  	v0 =	vshll.u32 v0, $0x4  }
0x12: {  	(v2sf) =	vpush v0, $0x0  }
0x13: {  	(v2sf) =	vpush v0, $0x1  }
0x14: {  	(v2sf) =	vpush v0, $0x2;
	_ =	sdelay $0x1  }
0x15: {  	(v2sf) =	vpush v0, $0x4;
	_ =	sdelay $0x1  }
0x16: {  	(v2sf) =	vpush v0, $0x3  }
0x17: {  	(v2sf) =	vpush v0, $0x5  }
0x18: {  	s14 =	simm.s32 $0x2000;
	s13 =	simm.s32 $0x0;
	s15 =	simm.s32 $0x0;
	(v2sf) =	vpush v0, $0x6  }
.LBB2_2:
0x19: {  	p0 =	sne.s32 s14, $0x5E000  }
0x1a: {  	s25 =	sadd.s32 $0x380, s13;
	s19 =	sadd.s32 $0x880, s13;
	s16 =	smov.u32 s14  }
0x1b: {  	s14 =	sadd.s32 $0x2000, s14;
	s22 =	sadd.s32 $0x680, s13;
	s17 =	sadd.s32 $0x900, s13;
	(v2sf) =	vpush v0, $0x7  }
0x1c: {  	s24 =	sadd.s32 $0x580, s13;
	s21 =	sadd.s32 $0x700, s13;
	s18 =	sadd.s32 $0x980, s13  }
0x1d: {  	s26 =	sadd.s32 $0x300, s13;
	s28 =	sadd.s32 $0x500, s13;
	(v2sf) =	vpush v0, $0x8  }
0x1e: {  	s29 =	sadd.s32 $0x600, s13;
	s15 =	sadd.s32 $0x10, s15  }
0x1f: {  	s30 =	sadd.s32 $0x400, s13;
	s20 =	sadd.s32 $0x800, s13;
	s23 =	spop (v2sf);
	(v2sf) =	vpush v0, $0x9  }
0x20: {  	s31 =	sand.u32 $0x1FFFFFF0, s23;
	s23 =	sadd.s32 $0x780, s13;
	s0 =	spop (v2sf)  }
0x21: {  	s31 =	sadd.s32 s3, s31;
	s0 =	sand.u32 $0x1FFFFFF0, s0;
	s1 =	spop (v2sf);
	(v2sf) =	vpush v0, $0xA  }
0x22: {  	[tilespmem:s26], [sflag:$0x1] =	stream.linear.gather [hbm4b:s31+s2], $0x80, $0x38;
	[tilespmem:$0x18300] =	vst v63  }
0x23: {  	s0 =	sadd.s32 s3, s0;
	s26 =	sadd.s32 $0x480, s13;
	s31 =	spop (v2sf);
	(v2sf) =	vpush v0, $0xB  }
0x24: {  	[tilespmem:s25], [sflag:$0x1] =	stream.linear.gather [hbm4b:s0+s2], $0x80, $0x38;
	[tilespmem:$0x18300] =	vst v63  }
0x25: {  	s0 =	sand.u32 $0x1FFFFFF0, s1;
	s1 =	sand.u32 $0x1FFFFFF0, s31;
	s25 =	spop (v2sf);
	(v2sf) =	vpush v0, $0xC  }
0x26: {  	s0 =	sadd.s32 s3, s0;
	s25 =	sand.u32 $0x1FFFFFF0, s25;
	s31 =	spop (v2sf)  }
0x27: {  	[tilespmem:s30], [sflag:$0x1] =	stream.linear.gather [hbm4b:s0+s2], $0x80, $0x38;
	(v2sf) =	vpush v0, $0xD;
	[tilespmem:$0x18300] =	vst v63  }
0x28: {  	s0 =	sadd.s32 s3, s25;
	s25 =	sand.u32 $0x1FFFFFF0, s31;
	s30 =	spop (v2sf)  }
0x29: {  	[tilespmem:s26], [sflag:$0x1] =	stream.linear.gather [hbm4b:s0+s2], $0x80, $0x38;
	(v2sf) =	vpush v0, $0xE;
	[tilespmem:$0x18300] =	vst v63  }
0x2a: {  	s0 =	sadd.s32 s3, s1;
	s1 =	sand.u32 $0x1FFFFFF0, s30;
	s26 =	spop (v2sf)  }
0x2b: {  	[tilespmem:s28], [sflag:$0x1] =	stream.linear.gather [hbm4b:s0+s2], $0x80, $0x38;
	(v2sf) =	vpush v0, $0xF;
	[tilespmem:$0x18300] =	vst v63  }
0x2c: {  	s0 =	sadd.s32 s3, s25;
	s25 =	sand.u32 $0x1FFFFFF0, s26;
	s26 =	spop (v2sf)  }
0x2d: {  	[tilespmem:s24], [sflag:$0x1] =	stream.linear.gather [hbm4b:s0+s2], $0x80, $0x38;
	[tilespmem:$0x18300] =	vst v63  }
0x2e: {  	s0 =	sadd.s32 s3, s1;
	s1 =	sand.u32 $0x1FFFFFF0, s26;
	s24 =	spop (v2sf)  }
0x2f: {  	[tilespmem:s29], [sflag:$0x1] =	stream.linear.gather [hbm4b:s0+s2], $0x80, $0x38;
	[tilespmem:$0x18300] =	vst v63  }
0x30: {  	s0 =	sadd.s32 s3, s25;
	s24 =	sand.u32 $0x1FFFFFF0, s24;
	s25 =	spop (v2sf)  }
0x31: {  	[tilespmem:s22], [sflag:$0x1] =	stream.linear.gather [hbm4b:s0+s2], $0x80, $0x38;
	[tilespmem:$0x18300] =	vst v63  }
0x32: {  	s0 =	sadd.s32 s3, s1;
	s1 =	sand.u32 $0x1FFFFFF0, s25;
	s22 =	spop (v2sf)  }
0x33: {  	[tilespmem:s21], [sflag:$0x1] =	stream.linear.gather [hbm4b:s0+s2], $0x80, $0x38;
	[tilespmem:$0x18300] =	vst v63  }
0x34: {  	s0 =	sadd.s32 s3, s24;
	s21 =	sand.u32 $0x1FFFFFF0, s22;
	s22 =	spop (v2sf)  }
0x35: {  	[tilespmem:s23], [sflag:$0x1] =	stream.linear.gather [hbm4b:s0+s2], $0x80, $0x38;
	[tilespmem:$0x18300] =	vst v63  }
0x36: {  	s0 =	sadd.s32 s3, s1;
	s1 =	sand.u32 $0x1FFFFFF0, s22;
	s22 =	spop (v2sf)  }
0x37: {  	[tilespmem:s20], [sflag:$0x1] =	stream.linear.gather [hbm4b:s0+s2], $0x80, $0x38;
	[tilespmem:$0x18300] =	vst v63  }
0x38: {  	s0 =	sadd.s32 s3, s21;
	s20 =	sand.u32 $0x1FFFFFF0, s22;
	s21 =	spop (v2sf)  }
0x39: {  	[tilespmem:s19], [sflag:$0x1] =	stream.linear.gather [hbm4b:s0+s2], $0x80, $0x38;
	[tilespmem:$0x18300] =	vst v63  }
0x3a: {  	s0 =	sadd.s32 s3, s1;
	s1 =	sand.u32 $0x1FFFFFF0, s21;
	s19 =	spop (v2sf)  }
0x3b: {  	[tilespmem:s17], [sflag:$0x1] =	stream.linear.gather [hbm4b:s0+s2], $0x80, $0x38;
	[tilespmem:$0x18300] =	vst v63  }
0x3c: {  	s0 =	sadd.s32 s3, s20;
	s17 =	sand.u32 $0x1FFFFFF0, s19  }
0x3d: {  	[tilespmem:s18], [sflag:$0x1] =	stream.linear.gather [hbm4b:s0+s2], $0x80, $0x38;
	[tilespmem:$0x18300] =	vst v63  }
0x3e: {  	s1 =	sadd.s32 s3, s1;
	s0 =	sadd.s32 $0xA00, s13  }
0x3f: {  	[tilespmem:s0], [sflag:$0x1] =	stream.linear.gather [hbm4b:s1+s2], $0x80, $0x38;
	[tilespmem:$0x18300] =	vst v63  }
0x40: {  	s0 =	sadd.s32 $0xA80, s13;
	s1 =	sadd.s32 s3, s17  }
0x41: {  	[tilespmem:s0], [sflag:$0x1] =	stream.linear.gather [hbm4b:s1+s2], $0x80, $0x38;
	[tilespmem:$0x18300] =	vst v63  }
0x42: {  	v0 =	vld [tilespmem:s15+$0x0];
	_ =	sdelay $0x4  }
0x43: {  	v0 =	vshll.u32 v0, $0x4  }
0x44: {  	(v2sf) =	vpush v0, $0x0  }
0x45: {  	(v2sf) =	vpush v0, $0x1  }
0x46: {  	(v2sf) =	vpush v0, $0x2;
	_ =	sdelay $0x1  }
0x47: {  	(v2sf) =	vpush v0, $0x4  }
.Ltmp0:
0x48: {  	(pc) =	sbr.rel @p0 .LBB2_2-.Ltmp0, $3  }
0x49: {  	(v2sf) =	vpush v0, $0x3  }
0x4a: {  	(v2sf) =	vpush v0, $0x5;
	_ =	sdelay $0x1  }
0x4b: {  	s13 =	sshra.s32 s16, $0x2;
	(v2sf) =	vpush v0, $0x6  }
0x4c: {  	_ =	sdelay $0x1  }
0x4d: {  	s0 =	sadd.s32 $0x380, s13;
	s16 =	sadd.s32 $0x880, s13  }
0x4e: {  	s1 =	sadd.s32 $0x680, s13;
	s14 =	sadd.s32 $0x900, s13;
	(v2sf) =	vpush v0, $0x7;
	s17 =	sadd.s32 $0x580, s13  }
0x4f: {  	s18 =	sadd.s32 $0x700, s13;
	s15 =	sadd.s32 $0x980, s13;
	s19 =	sadd.s32 $0x300, s13  }
0x50: {  	s20 =	sadd.s32 $0x500, s13;
	s21 =	sadd.s32 $0x600, s13;
	(v2sf) =	vpush v0, $0x8;
	s22 =	spop (v2sf)  }
0x51: {  	s23 =	sadd.s32 $0x400, s13;
	s22 =	sand.u32 $0x1FFFFFF0, s22;
	s24 =	spop (v2sf)  }
0x52: {  	(v2sf) =	vpush v0, $0x9;
	s22 =	sadd.s32 s3, s22;
	s24 =	sand.u32 $0x1FFFFFF0, s24;
	s25 =	spop (v2sf)  }
0x53: {  	[tilespmem:s19], [sflag:$0x1] =	stream.linear.gather [hbm4b:s22+s2], $0x80, $0x38;
	[tilespmem:$0x18300] =	vst v63  }
0x54: {  	(v2sf) =	vpush v0, $0xA;
	s26 =	sadd.s32 s3, s24;
	s29 =	sand.u32 $0x1FFFFFF0, s25;
	s28 =	spop (v2sf)  }
0x55: {  	[tilespmem:s0], [sflag:$0x1] =	stream.linear.gather [hbm4b:s26+s2], $0x80, $0x38;
	[tilespmem:$0x18300] =	vst v63  }
0x56: {  	s19 =	sadd.s32 $0x800, s13;
	(v2sf) =	vpush v0, $0xB;
	s22 =	sadd.s32 s3, s29;
	s30 =	spop (v2sf)  }
0x57: {  	s0 =	sadd.s32 $0x780, s13;
	s26 =	sadd.s32 $0x480, s13;
	s25 =	sand.u32 $0x1FFFFFF0, s30  }
0x58: {  	(v2sf) =	vpush v0, $0xC;
	[tilespmem:s23], [sflag:$0x1] =	stream.linear.gather [hbm4b:s22+s2], $0x80, $0x38;
	[tilespmem:$0x18300] =	vst v63  }
0x59: {  	s31 =	sand.u32 $0x1FFFFFF0, s28;
	s28 =	spop (v2sf);
	s29 =	sadd.s32 s3, s25  }
0x5a: {  	(v2sf) =	vpush v0, $0xD;
	[tilespmem:s26], [sflag:$0x1] =	stream.linear.gather [hbm4b:s29+s2], $0x80, $0x38;
	[tilespmem:$0x18300] =	vst v63  }
0x5b: {  	s22 =	sadd.s32 s3, s31;
	s23 =	sand.u32 $0x1FFFFFF0, s28;
	s30 =	spop (v2sf)  }
0x5c: {  	(v2sf) =	vpush v0, $0xE;
	[tilespmem:s20], [sflag:$0x1] =	stream.linear.gather [hbm4b:s22+s2], $0x80, $0x38;
	[tilespmem:$0x18300] =	vst v63  }
0x5d: {  	s23 =	sadd.s32 s3, s23;
	s31 =	sand.u32 $0x1FFFFFF0, s30;
	s24 =	spop (v2sf)  }
0x5e: {  	(v2sf) =	vpush v0, $0xF;
	[tilespmem:s17], [sflag:$0x1] =	stream.linear.gather [hbm4b:s23+s2], $0x80, $0x38;
	[tilespmem:$0x18300] =	vst v63  }
0x5f: {  	s25 =	sand.u32 $0x1FFFFFF0, s24;
	s26 =	spop (v2sf);
	s20 =	sadd.s32 s3, s31  }
0x60: {  	[tilespmem:s21], [sflag:$0x1] =	stream.linear.gather [hbm4b:s20+s2], $0x80, $0x38;
	[tilespmem:$0x18300] =	vst v63  }
0x61: {  	s28 =	sand.u32 $0x1FFFFFF0, s26;
	s17 =	sadd.s32 s3, s25;
	s29 =	spop (v2sf)  }
0x62: {  	[tilespmem:s1], [sflag:$0x1] =	stream.linear.gather [hbm4b:s17+s2], $0x80, $0x38;
	[tilespmem:$0x18300] =	vst v63  }
0x63: {  	s20 =	sadd.s32 s3, s28;
	s30 =	sand.u32 $0x1FFFFFF0, s29;
	s31 =	spop (v2sf)  }
0x64: {  	[tilespmem:s18], [sflag:$0x1] =	stream.linear.gather [hbm4b:s20+s2], $0x80, $0x38;
	[tilespmem:$0x18300] =	vst v63  }
0x65: {  	s17 =	sand.u32 $0x1FFFFFF0, s31;
	s1 =	sadd.s32 s3, s30;
	s20 =	spop (v2sf)  }
0x66: {  	[tilespmem:s0], [sflag:$0x1] =	stream.linear.gather [hbm4b:s1+s2], $0x80, $0x38;
	[tilespmem:$0x18300] =	vst v63  }
0x67: {  	s17 =	sadd.s32 s3, s17;
	s21 =	sand.u32 $0x1FFFFFF0, s20;
	s22 =	spop (v2sf)  }
0x68: {  	[tilespmem:s19], [sflag:$0x1] =	stream.linear.gather [hbm4b:s17+s2], $0x80, $0x38;
	[tilespmem:$0x18300] =	vst v63  }
0x69: {  	s0 =	sadd.s32 s3, s21;
	s1 =	sand.u32 $0x1FFFFFF0, s22;
	s23 =	spop (v2sf)  }
0x6a: {  	[tilespmem:s16], [sflag:$0x1] =	stream.linear.gather [hbm4b:s0+s2], $0x80, $0x38;
	[tilespmem:$0x18300] =	vst v63  }
0x6b: {  	s24 =	sand.u32 $0x1FFFFFF0, s23;
	s1 =	sadd.s32 s3, s1;
	s25 =	spop (v2sf)  }
0x6c: {  	[tilespmem:s14], [sflag:$0x1] =	stream.linear.gather [hbm4b:s1+s2], $0x80, $0x38;
	[tilespmem:$0x18300] =	vst v63  }
0x6d: {  	s26 =	sand.u32 $0x1FFFFFF0, s25;
	s28 =	spop (v2sf);
	s0 =	sadd.s32 s3, s24  }
0x6e: {  	[tilespmem:s15], [sflag:$0x1] =	stream.linear.gather [hbm4b:s0+s2], $0x80, $0x38;
	[tilespmem:$0x18300] =	vst v63  }
0x6f: {  	s30 =	sadd.s32 $0xA00, s13;
	s29 =	sand.u32 $0x1FFFFFF0, s28;
	s1 =	sadd.s32 s3, s26  }
0x70: {  	[tilespmem:s30], [sflag:$0x1] =	stream.linear.gather [hbm4b:s1+s2], $0x80, $0x38;
	[tilespmem:$0x18300] =	vst v63  }
0x71: {  	s31 =	sadd.s32 $0xA80, s13;
	s0 =	sadd.s32 s3, s29  }
0x72: {  	[tilespmem:s31], [sflag:$0x1] =	stream.linear.gather [hbm4b:s0+s2], $0x80, $0x38;
	[tilespmem:$0x18300] =	vst v63  }
0x73: {  	s12 =	sadd.s32 $0x1, s12;
	_ =	swait.ge [sflag:s10], $0x18000  }
0x74: {  	p0 =	sne.s32 s12, s6;
	[sflag:s10] =	ssyncset.done $0x0  }
.Ltmp1:
0x75: {  	[sflag:s10] =	ssyncadd.s32 $0xFFFE8000;
	(pc) =	sbr.rel @p0 .LBB2_1-.Ltmp1, $4  }
0x76: {  	[hbm4b:s5+s2] =	stream.linear.scatter [tilespmem:s11], [sflag:$0x2], $0x18000, $0x38;
	[tilespmem:$0x18300] =	vst v63  }
0x77: {  	_ =	swait.ge [sflag:s9], $0x18000  }
0x78: {  	[sflag:s9] =	ssyncset.done $0x0  }
0x79: {  	[sflag:s9] =	ssyncadd.s32 $0xFFFE8000  }
0x7a: {  	_ =	sfence.sel $0x180000  }
0x7b: {  	[bflag:$0x0] =	sbarrier.arrive $0xFFFF  }
0x7c: {  	_ =	strace $0x90000047  }
0x7d: {  	s0 =	stileid.u32;
	[bflag:$0x2] =	sbarrier.arrive $0xFFFF  }
0x7e: {  	p0 =	sne.s32 s0, $0x0;
	s0 =	rddreg [dreg:$0x1]  }
0x7f: {  	s0 =	sadd.s32 @!p0 $0x100000, s0  }
0x80: {  	[sflag:s0] =	ssyncadd.tile.s32 @!p0 $0x1;
	_ =	shalt  }
.Lfunc_end2:
_tile_overlayer_lowered:
.L_overlay_start_2:
0x81: {  	(tag) =	ssettag $0x2  }
0x82: {  	s0 =	rddreg [dreg:$0x0];
	s2 =	stileid.u32  }
0x83: {  	s1 =	rddreg [dreg:$0x1];
	p0 =	sne.s32 s2, $0x0  }
0x84: {  	s3 =	rddreg [dreg:$0x2];
	[bflag:$0x3] =	sbarrier.arrive $0xFFFF;
	s2 =	simm.s32 @!p0 $0x1C02  }
0x85: {  	[timem:s3], [sflag:s2] =	dma.local @!p0 [hbm:s0], s1  }
0x86: {  	s0 =	simm.s32 @!p0 $0x2  }
0x87: {  	_ =	swait.ge @!p0 [sflag:s0], s1  }
0x88: {  	s1 =	ssub.s32 @!p0 $0x0, s1;
	[sflag:s0] =	ssyncset.done @!p0 $0x0  }
0x89: {  	[sflag:s0] =	ssyncadd.s32 @!p0 s1  }
0x8a: {  	[bflag:$0x3] =	sbarrier.arrive $0xFFFF  }
0x8b: {  	_ =	shalt  }

</sc_bundles>
